<compile_context>
chip_gen: v7x
topology: tpu7x:2x2x1
jax: 0.10.2.dev20260603
libtpu: 0.0.44.dev20260713+nightly
codegen_flags: <defaults>
</compile_context>

<pallas_src>
import functools

import jax
import jax.numpy as jnp
from jax import lax
from jax.experimental import pallas as pl
from jax.experimental.pallas import tpu as pltpu
from jax.experimental.pallas import tpu_sc as plsc

_B, _N, _D = 64, 4096, 128
_R = _B * _N
_NC, _NS = 2, 16
_NW = _NC * _NS
_CHUNK = 128
_NCHUNK = _R // (_NW * _CHUNK)

_NBUF = 2
_NROUNDS = _NCHUNK // _NBUF


_SLAB = _N // _NS


def _pfe_body(table, idx, out, shared, idx_v, r0, r1, g0, g1, o0, o1):
    cid = lax.axis_index("c")
    sid = lax.axis_index("s")
    wid = sid * _NC + cid
    rows = (r0, r1)
    gsem = (g0, g1)
    osem = (o0, o1)

    s0 = sid * _SLAB
    pltpu.sync_copy(table.at[pl.ds(s0, _SLAB)], shared.at[pl.ds(s0, _SLAB)])
    plsc.subcore_barrier()

    pltpu.sync_copy(idx.at[wid], idx_v)

    for b in range(_NBUF):
        pltpu.async_copy(shared.at[idx_v.at[b]], rows[b], gsem[b])

    def rnd(r, carry):
        for b in range(_NBUF):
            c = r * _NBUF + b
            pltpu.make_async_copy(shared.at[idx_v.at[b]], rows[b],
                                  gsem[b]).wait()
            cp = pltpu.async_copy(rows[b], out.at[wid, c], osem[b])
            cp.wait()
            nc = c + _NBUF

            @pl.when(nc < _NCHUNK)
            def _():
                pltpu.async_copy(shared.at[idx_v.at[nc]], rows[b], gsem[b])

        return carry

    lax.fori_loop(0, _NROUNDS, rnd, 0)


_pfe_gather = functools.partial(
    pl.kernel,
    mesh=plsc.VectorSubcoreMesh(core_axis_name="c", subcore_axis_name="s"),
    out_type=jax.ShapeDtypeStruct((_NW, _NCHUNK, _CHUNK, _D), jnp.float32),
    scratch_types=[
        pltpu.VMEM_SHARED((_N, _D), jnp.float32),
        pltpu.VMEM((_NCHUNK, _CHUNK), jnp.int32),
    ] + [pltpu.VMEM((_CHUNK, _D), jnp.float32)] * _NBUF
      + [pltpu.SemaphoreType.DMA] * (2 * _NBUF),
)(_pfe_body)


_JS = _N // _D


_BB = 4


def _nfe_body(xq_ref, wt_ref, o_ref):
    wt = wt_ref[...]
    for bb in range(_BB):
        xq = xq_ref[bb]
        for j in range(_JS):
            pair = xq[2 * j:2 * j + 2, :]
            o_ref[bb, pl.ds(j * _D, _D), :] = jax.lax.dot_general(
                pair, wt, (((0,), (0,)), ((), ())),
                preferred_element_type=jnp.float32)


def _nfe(xq, wt):
    return pl.pallas_call(
        _nfe_body,
        grid=(_B // _BB,),
        in_specs=[
            pl.BlockSpec((_BB, 2 * _JS, _D), lambda i: (i, 0, 0)),
            pl.BlockSpec((2, _D), lambda i: (0, 0)),
        ],
        out_specs=pl.BlockSpec((_BB, _N, _D), lambda i: (i, 0, 0)),
        out_shape=jax.ShapeDtypeStruct((_B, _N, _D), jnp.float32),
    )(xq, wt)


def kernel(x, solutions, visited_time, pattern, W):
    idx = visited_time.reshape(_NW, _NCHUNK, _CHUNK)
    PFEs = _pfe_gather(pattern, idx).reshape(_B, _N, _D)
    xq = (x.transpose(0, 2, 1)
           .reshape(_B, 2, _JS, _D)
           .transpose(0, 2, 1, 3)
           .reshape(_B, 2 * _JS, _D))
    NFEs = _nfe(xq, W.T)
    return (NFEs, PFEs, visited_time)

# --- scband reference (transcript-rebuilt; emitter-appended) ---
"""Pipeline reference for scband-embedding-net-7739531067810 (READ-ONLY COPY).

The authoritative reference and input builder live on the scoring server;
editing this copy changes nothing except your own understanding.
"""

import jax, jax.numpy as jnp
import numpy as np

BATCH = 64
N_POSITION = 4096
EMB_DIM = 128
NODE_DIM = 2


def _basesin(x, T, fai=0):
    return np.sin(2 * np.pi / T * np.abs(np.mod(x, 2 * T) - T) + fai)


def _basecos(x, T, fai=0):
    return np.cos(2 * np.pi / T * np.abs(np.mod(x, 2 * T) - T) + fai)


def cyclic_positional_encoding(n_position, emb_dim, mean_pooling=True):
    Td_set = np.linspace(np.power(n_position, 1 / (emb_dim // 2)), n_position, emb_dim // 2, dtype='int')
    x = np.zeros((n_position, emb_dim))
    for i in range(emb_dim):
        Td = Td_set[i // 3 * 3 + 1] if i // 3 * 3 + 1 < emb_dim // 2 else Td_set[-1]
        fai = 0 if i <= emb_dim // 2 else 2 * np.pi * ((-i + emb_dim // 2) / (emb_dim // 2))
        longer_pattern = np.arange(0, np.ceil(n_position / Td) * Td, 0.01)
        sel = np.linspace(0, len(longer_pattern), n_position, dtype='int', endpoint=False)
        if i % 2 == 1:
            x[:, i] = _basecos(longer_pattern, Td, fai)[sel]
        else:
            x[:, i] = _basesin(longer_pattern, Td, fai)[sel]
    pattern = x.astype(np.float32)
    pattern_sum = np.zeros_like(pattern)
    arange = np.arange(n_position)
    pooling = [-2, -1, 0, 1, 2] if mean_pooling else [0]
    time = 0
    for i in pooling:
        time += 1
        index = (arange + i + n_position) % n_position
        pattern_sum += pattern[index]
    pattern = 1.0 / time * pattern_sum - pattern.mean(0)
    return jnp.asarray(pattern, dtype=jnp.float32)


def setup_inputs(seed: int = 0) -> dict:
    key = jax.random.key(seed)
    k1, k2, k3, k4 = jax.random.split(key, 4)
    x = jax.random.normal(k1, (BATCH, N_POSITION, NODE_DIM), dtype=jnp.float32)
    solutions = jax.random.randint(k2, (BATCH, N_POSITION), 0, N_POSITION, dtype=jnp.int32)
    visited_time = jax.random.randint(k3, (BATCH, N_POSITION), 0, N_POSITION, dtype=jnp.int32)
    stdv = 1.0 / np.sqrt(NODE_DIM)
    W = jax.random.uniform(k4, (EMB_DIM, NODE_DIM), dtype=jnp.float32, minval=-stdv, maxval=stdv)
    pattern = cyclic_positional_encoding(N_POSITION, EMB_DIM)
    return {"x": x, "solutions": solutions, "visited_time": visited_time, "pattern": pattern, "W": W}


def reference(x, solutions, visited_time, pattern, W):
    B, N = solutions.shape
    D = pattern.shape[1]
    # CPE_embeddings = pattern.expand(B, N, D)
    CPE = jnp.broadcast_to(pattern[None, :, :], (B, N, D))
    index = (visited_time % N).astype(jnp.int32)
    idx = jnp.broadcast_to(index[:, :, None], (B, N, D))
    # torch.gather(CPE_embeddings, 1, index) -> take_along_axis on axis=1
    PFEs = jnp.take_along_axis(CPE, idx, axis=1)
    # NFEs = Linear(node_dim -> embedding_dim, bias=False)
    NFEs = x @ W.T
    return (NFEs, PFEs, visited_time)

if __name__ == "__main__":
    import jax
    _d = setup_inputs()
    print(jax.jit(kernel)(*tuple(_d.values())))

</pallas_src>

<mosaic_0001>
#map = affine_map<(d0, d1) -> (0, 0)>
#map1 = affine_map<(d0, d1) -> (0, 0, 0)>
#map2 = affine_map<(d0, d1) -> (0, 0, 0, 0)>
module attributes {stable_mosaic.version = 14 : i64} {
  func.func @_pfe_body(%arg0: i32, %arg1: i32, %arg2: memref<4096x128xf32, #tpu.memory_space<hbm>>, %arg3: memref<32x64x128xi32, #tpu.memory_space<hbm>>, %arg4: memref<32x64x128x128xf32, #tpu.memory_space<hbm>>, %arg5: memref<4096x128xf32, #tpu.memory_space<vmem_shared>>, %arg6: memref<64x128xi32, #tpu.memory_space<vmem>>, %arg7: memref<128x128xf32, #tpu.memory_space<vmem>>, %arg8: memref<128x128xf32, #tpu.memory_space<vmem>>, %arg9: memref<!tpu.dma_semaphore, #tpu.memory_space<semaphore_mem>>, %arg10: memref<!tpu.dma_semaphore, #tpu.memory_space<semaphore_mem>>, %arg11: memref<!tpu.dma_semaphore, #tpu.memory_space<semaphore_mem>>, %arg12: memref<!tpu.dma_semaphore, #tpu.memory_space<semaphore_mem>>) attributes {dimension_semantics = [#tpu.dimension_semantics<core_parallel>, #tpu.dimension_semantics<subcore_parallel>], iteration_bounds = array<i64: 2, 16>, scalar_prefetch = 0 : i64, scratch_operands = 8 : i64, tpu.core_type = #tpu.core_type<sc_vector_subcore>, window_params = [{transform_indices = #map}, {transform_indices = #map1}, {transform_indices = #map2}]} {
    %mul3A = arith.constant 2 : i32
    %mul3A_0 = arith.muli %arg1, %mul3A : i32
    %add3A = arith.addi %mul3A_0, %arg0 : i32
    %mul3A_1 = arith.constant 256 : i32
    %mul3A_2 = arith.muli %arg1, %mul3A_1 : i32
    "tpu.region"() ({
      %run_scoped3A = tpu.sem_alloc : memref<!tpu.dma_semaphore, #tpu.memory_space<semaphore_mem>>
      %dma_start3A_21 = arith.constant 0 : i32
      %dma_start3A_22 = tpu.memref_slice %arg5[%mul3A_2, %dma_start3A_21] : memref<4096x128xf32, #tpu.memory_space<vmem_shared>> -> memref<256x128xf32, #tpu.memory_space<vmem_shared>>
      %dma_start3A_23 = arith.constant 0 : i32
      %dma_start3A_24 = tpu.memref_slice %arg2[%mul3A_2, %dma_start3A_23] : memref<4096x128xf32, #tpu.memory_space<hbm>> -> memref<256x128xf32, #tpu.memory_space<hbm>>
      tpu.enqueue_dma source(%dma_start3A_24 : memref<256x128xf32, #tpu.memory_space<hbm>>) target(%dma_start3A_22 : memref<256x128xf32, #tpu.memory_space<vmem_shared>>) target_semaphore(%run_scoped3A : memref<!tpu.dma_semaphore, #tpu.memory_space<semaphore_mem>>)
      %dma_wait3A = arith.constant 0 : i32
      %dma_wait3A_25 = tpu.memref_slice %arg5[%mul3A_2, %dma_wait3A] : memref<4096x128xf32, #tpu.memory_space<vmem_shared>> -> memref<256x128xf32, #tpu.memory_space<vmem_shared>>
      %dma_wait3A_26 = arith.constant 0 : i32
      %dma_wait3A_27 = tpu.memref_slice %arg2[%mul3A_2, %dma_wait3A_26] : memref<4096x128xf32, #tpu.memory_space<hbm>> -> memref<256x128xf32, #tpu.memory_space<hbm>>
      tpu.wait_dma2 semaphore(%run_scoped3A : memref<!tpu.dma_semaphore, #tpu.memory_space<semaphore_mem>>) src(%dma_wait3A_27 : memref<256x128xf32, #tpu.memory_space<hbm>>) dst(%dma_wait3A_25 : memref<256x128xf32, #tpu.memory_space<vmem_shared>>)
      tpu.yield
    }) : () -> ()
    %barrier3A = arith.constant 0 : index
    tpu.barrier barrier_id(%barrier3A)
    "tpu.region"() ({
      %run_scoped3A = tpu.sem_alloc : memref<!tpu.dma_semaphore, #tpu.memory_space<semaphore_mem>>
      %dma_start3A_21 = arith.constant 0 : i32
      %dma_start3A_22 = arith.constant 0 : i32
      %dma_start3A_23 = tpu.memref_slice %arg3[%add3A, %dma_start3A_21, %dma_start3A_22] : memref<32x64x128xi32, #tpu.memory_space<hbm>> -> memref<1x64x128xi32, #tpu.memory_space<hbm>>
      %dma_start3A_24 = tpu.memref_squeeze %dma_start3A_23 : memref<1x64x128xi32, #tpu.memory_space<hbm>> -> memref<64x128xi32, #tpu.memory_space<hbm>>
      %dma_start3A_25 = arith.constant 0 : i32
      %dma_start3A_26 = arith.constant 0 : i32
      %dma_start3A_27 = tpu.memref_slice %arg3[%add3A, %dma_start3A_25, %dma_start3A_26] : memref<32x64x128xi32, #tpu.memory_space<hbm>> -> memref<1x64x128xi32, #tpu.memory_space<hbm>>
      %dma_start3A_28 = tpu.memref_squeeze %dma_start3A_27 : memref<1x64x128xi32, #tpu.memory_space<hbm>> -> memref<64x128xi32, #tpu.memory_space<hbm>>
      tpu.enqueue_dma source(%dma_start3A_28 : memref<64x128xi32, #tpu.memory_space<hbm>>) target(%arg6 : memref<64x128xi32, #tpu.memory_space<vmem>>) target_semaphore(%run_scoped3A : memref<!tpu.dma_semaphore, #tpu.memory_space<semaphore_mem>>)
      %dma_wait3A = arith.constant 0 : i32
      %dma_wait3A_29 = arith.constant 0 : i32
      %dma_wait3A_30 = tpu.memref_slice %arg3[%add3A, %dma_wait3A, %dma_wait3A_29] : memref<32x64x128xi32, #tpu.memory_space<hbm>> -> memref<1x64x128xi32, #tpu.memory_space<hbm>>
      %dma_wait3A_31 = tpu.memref_squeeze %dma_wait3A_30 : memref<1x64x128xi32, #tpu.memory_space<hbm>> -> memref<64x128xi32, #tpu.memory_space<hbm>>
      %dma_wait3A_32 = arith.constant 0 : i32
      %dma_wait3A_33 = arith.constant 0 : i32
      %dma_wait3A_34 = tpu.memref_slice %arg3[%add3A, %dma_wait3A_32, %dma_wait3A_33] : memref<32x64x128xi32, #tpu.memory_space<hbm>> -> memref<1x64x128xi32, #tpu.memory_space<hbm>>
      %dma_wait3A_35 = tpu.memref_squeeze %dma_wait3A_34 : memref<1x64x128xi32, #tpu.memory_space<hbm>> -> memref<64x128xi32, #tpu.memory_space<hbm>>
      tpu.wait_dma2 semaphore(%run_scoped3A : memref<!tpu.dma_semaphore, #tpu.memory_space<semaphore_mem>>) src(%dma_wait3A_35 : memref<64x128xi32, #tpu.memory_space<hbm>>) dst(%arg6 : memref<64x128xi32, #tpu.memory_space<vmem>>)
      tpu.yield
    }) : () -> ()
    %dma_start3A = arith.constant 0 : i32
    %dma_start3A_3 = arith.constant 0 : i32
    %dma_start3A_4 = tpu.memref_slice %arg6[%dma_start3A, %dma_start3A_3] : memref<64x128xi32, #tpu.memory_space<vmem>> -> memref<1x128xi32, #tpu.memory_space<vmem>>
    %dma_start3A_5 = tpu.memref_squeeze %dma_start3A_4 : memref<1x128xi32, #tpu.memory_space<vmem>> -> memref<128xi32, #tpu.memory_space<vmem>>
    %dma_start3A_6 = arith.constant 0 : i32
    %dma_start3A_7 = arith.constant 0 : i32
    %dma_start3A_8 = tpu.memref_slice %arg5[%dma_start3A_6, %dma_start3A_7] : memref<4096x128xf32, #tpu.memory_space<vmem_shared>> -> memref<4096x128xf32, #tpu.memory_space<vmem_shared>>
    tpu.enqueue_indirect_dma source(%dma_start3A_8 : memref<4096x128xf32, #tpu.memory_space<vmem_shared>>) target(%arg7 : memref<128x128xf32, #tpu.memory_space<vmem>>) offsets(%dma_start3A_5 : memref<128xi32, #tpu.memory_space<vmem>>) semaphore(%arg9 : memref<!tpu.dma_semaphore, #tpu.memory_space<semaphore_mem>>)
    %dma_start3A_9 = arith.constant 1 : i32
    %dma_start3A_10 = arith.constant 0 : i32
    %dma_start3A_11 = tpu.memref_slice %arg6[%dma_start3A_9, %dma_start3A_10] : memref<64x128xi32, #tpu.memory_space<vmem>> -> memref<1x128xi32, #tpu.memory_space<vmem>>
    %dma_start3A_12 = tpu.memref_squeeze %dma_start3A_11 : memref<1x128xi32, #tpu.memory_space<vmem>> -> memref<128xi32, #tpu.memory_space<vmem>>
    %dma_start3A_13 = arith.constant 0 : i32
    %dma_start3A_14 = arith.constant 0 : i32
    %dma_start3A_15 = tpu.memref_slice %arg5[%dma_start3A_13, %dma_start3A_14] : memref<4096x128xf32, #tpu.memory_space<vmem_shared>> -> memref<4096x128xf32, #tpu.memory_space<vmem_shared>>
    tpu.enqueue_indirect_dma source(%dma_start3A_15 : memref<4096x128xf32, #tpu.memory_space<vmem_shared>>) target(%arg8 : memref<128x128xf32, #tpu.memory_space<vmem>>) offsets(%dma_start3A_12 : memref<128xi32, #tpu.memory_space<vmem>>) semaphore(%arg10 : memref<!tpu.dma_semaphore, #tpu.memory_space<semaphore_mem>>)
    %scan3A = arith.constant 0 : i32
    %scan3A_16 = arith.constant 0 : i32
    %scan3A_17 = arith.constant 32 : i32
    %scan3A_18 = arith.addi %scan3A_16, %scan3A_17 : i32
    %scan3A_19 = arith.constant 1 : i32
    scf.for %scan3A_21 = %scan3A_16 to %scan3A_18 step %scan3A_19  : i32 {
      %mul3A_22 = arith.constant 2 : i32
      %mul3A_23 = arith.muli %scan3A_21, %mul3A_22 : i32
      %add3A_24 = arith.constant 0 : i32
      %add3A_25 = arith.addi %mul3A_23, %add3A_24 : i32
      %dma_wait3A = arith.constant 0 : i32
      %dma_wait3A_26 = arith.constant 0 : i32
      %dma_wait3A_27 = tpu.memref_slice %arg6[%dma_wait3A, %dma_wait3A_26] : memref<64x128xi32, #tpu.memory_space<vmem>> -> memref<1x128xi32, #tpu.memory_space<vmem>>
      %dma_wait3A_28 = tpu.memref_squeeze %dma_wait3A_27 : memref<1x128xi32, #tpu.memory_space<vmem>> -> memref<128xi32, #tpu.memory_space<vmem>>
      %dma_wait3A_29 = arith.constant 0 : i32
      %dma_wait3A_30 = arith.constant 0 : i32
      %dma_wait3A_31 = tpu.memref_slice %arg5[%dma_wait3A_29, %dma_wait3A_30] : memref<4096x128xf32, #tpu.memory_space<vmem_shared>> -> memref<4096x128xf32, #tpu.memory_space<vmem_shared>>
      tpu.wait_indirect_dma semaphore(%arg9 : memref<!tpu.dma_semaphore, #tpu.memory_space<semaphore_mem>>) src(%dma_wait3A_31 : memref<4096x128xf32, #tpu.memory_space<vmem_shared>>) dst(%arg7 : memref<128x128xf32, #tpu.memory_space<vmem>>)
      %dma_start3A_32 = arith.constant 0 : i32
      %dma_start3A_33 = arith.constant 0 : i32
      %dma_start3A_34 = tpu.memref_slice %arg4[%add3A, %add3A_25, %dma_start3A_32, %dma_start3A_33] : memref<32x64x128x128xf32, #tpu.memory_space<hbm>> -> memref<1x1x128x128xf32, #tpu.memory_space<hbm>>
      %dma_start3A_35 = tpu.memref_squeeze %dma_start3A_34 : memref<1x1x128x128xf32, #tpu.memory_space<hbm>> -> memref<128x128xf32, #tpu.memory_space<hbm>>
      %dma_start3A_36 = arith.constant 0 : i32
      %dma_start3A_37 = arith.constant 0 : i32
      %dma_start3A_38 = tpu.memref_slice %arg4[%add3A, %add3A_25, %dma_start3A_36, %dma_start3A_37] : memref<32x64x128x128xf32, #tpu.memory_space<hbm>> -> memref<1x1x128x128xf32, #tpu.memory_space<hbm>>
      %dma_start3A_39 = tpu.memref_squeeze %dma_start3A_38 : memref<1x1x128x128xf32, #tpu.memory_space<hbm>> -> memref<128x128xf32, #tpu.memory_space<hbm>>
      tpu.enqueue_dma source(%arg7 : memref<128x128xf32, #tpu.memory_space<vmem>>) target(%dma_start3A_39 : memref<128x128xf32, #tpu.memory_space<hbm>>) target_semaphore(%arg11 : memref<!tpu.dma_semaphore, #tpu.memory_space<semaphore_mem>>)
      %dma_wait3A_40 = arith.constant 0 : i32
      %dma_wait3A_41 = arith.constant 0 : i32
      %dma_wait3A_42 = tpu.memref_slice %arg4[%add3A, %add3A_25, %dma_wait3A_40, %dma_wait3A_41] : memref<32x64x128x128xf32, #tpu.memory_space<hbm>> -> memref<1x1x128x128xf32, #tpu.memory_space<hbm>>
      %dma_wait3A_43 = tpu.memref_squeeze %dma_wait3A_42 : memref<1x1x128x128xf32, #tpu.memory_space<hbm>> -> memref<128x128xf32, #tpu.memory_space<hbm>>
      %dma_wait3A_44 = arith.constant 0 : i32
      %dma_wait3A_45 = arith.constant 0 : i32
      %dma_wait3A_46 = tpu.memref_slice %arg4[%add3A, %add3A_25, %dma_wait3A_44, %dma_wait3A_45] : memref<32x64x128x128xf32, #tpu.memory_space<hbm>> -> memref<1x1x128x128xf32, #tpu.memory_space<hbm>>
      %dma_wait3A_47 = tpu.memref_squeeze %dma_wait3A_46 : memref<1x1x128x128xf32, #tpu.memory_space<hbm>> -> memref<128x128xf32, #tpu.memory_space<hbm>>
      tpu.wait_dma2 semaphore(%arg11 : memref<!tpu.dma_semaphore, #tpu.memory_space<semaphore_mem>>) src(%arg7 : memref<128x128xf32, #tpu.memory_space<vmem>>) dst(%dma_wait3A_47 : memref<128x128xf32, #tpu.memory_space<hbm>>)
      %add3A_48 = arith.constant 2 : i32
      %add3A_49 = arith.addi %add3A_25, %add3A_48 : i32
      %lt3A = arith.constant 64 : i32
      %lt3A_50 = arith.cmpi slt, %add3A_49, %lt3A : i32
      %convert_element_type3A = arith.extui %lt3A_50 : i1 to i32
      %cond3A = arith.constant 0 : i32
      %cond3A_51 = arith.cmpi ne, %convert_element_type3A, %cond3A : i32
      scf.if %cond3A_51 {
        %dma_start3A_86 = arith.constant 0 : i32
        %dma_start3A_87 = tpu.memref_slice %arg6[%add3A_49, %dma_start3A_86] : memref<64x128xi32, #tpu.memory_space<vmem>> -> memref<1x128xi32, #tpu.memory_space<vmem>>
        %dma_start3A_88 = tpu.memref_squeeze %dma_start3A_87 : memref<1x128xi32, #tpu.memory_space<vmem>> -> memref<128xi32, #tpu.memory_space<vmem>>
        %dma_start3A_89 = arith.constant 0 : i32
        %dma_start3A_90 = arith.constant 0 : i32
        %dma_start3A_91 = tpu.memref_slice %arg5[%dma_start3A_89, %dma_start3A_90] : memref<4096x128xf32, #tpu.memory_space<vmem_shared>> -> memref<4096x128xf32, #tpu.memory_space<vmem_shared>>
        tpu.enqueue_indirect_dma source(%dma_start3A_91 : memref<4096x128xf32, #tpu.memory_space<vmem_shared>>) target(%arg7 : memref<128x128xf32, #tpu.memory_space<vmem>>) offsets(%dma_start3A_88 : memref<128xi32, #tpu.memory_space<vmem>>) semaphore(%arg9 : memref<!tpu.dma_semaphore, #tpu.memory_space<semaphore_mem>>)
      } else {
      }
      %mul3A_52 = arith.constant 2 : i32
      %mul3A_53 = arith.muli %scan3A_21, %mul3A_52 : i32
      %add3A_54 = arith.constant 1 : i32
      %add3A_55 = arith.addi %mul3A_53, %add3A_54 : i32
      %dma_wait3A_56 = arith.constant 1 : i32
      %dma_wait3A_57 = arith.constant 0 : i32
      %dma_wait3A_58 = tpu.memref_slice %arg6[%dma_wait3A_56, %dma_wait3A_57] : memref<64x128xi32, #tpu.memory_space<vmem>> -> memref<1x128xi32, #tpu.memory_space<vmem>>
      %dma_wait3A_59 = tpu.memref_squeeze %dma_wait3A_58 : memref<1x128xi32, #tpu.memory_space<vmem>> -> memref<128xi32, #tpu.memory_space<vmem>>
      %dma_wait3A_60 = arith.constant 0 : i32
      %dma_wait3A_61 = arith.constant 0 : i32
      %dma_wait3A_62 = tpu.memref_slice %arg5[%dma_wait3A_60, %dma_wait3A_61] : memref<4096x128xf32, #tpu.memory_space<vmem_shared>> -> memref<4096x128xf32, #tpu.memory_space<vmem_shared>>
      tpu.wait_indirect_dma semaphore(%arg10 : memref<!tpu.dma_semaphore, #tpu.memory_space<semaphore_mem>>) src(%dma_wait3A_62 : memref<4096x128xf32, #tpu.memory_space<vmem_shared>>) dst(%arg8 : memref<128x128xf32, #tpu.memory_space<vmem>>)
      %dma_start3A_63 = arith.constant 0 : i32
      %dma_start3A_64 = arith.constant 0 : i32
      %dma_start3A_65 = tpu.memref_slice %arg4[%add3A, %add3A_55, %dma_start3A_63, %dma_start3A_64] : memref<32x64x128x128xf32, #tpu.memory_space<hbm>> -> memref<1x1x128x128xf32, #tpu.memory_space<hbm>>
      %dma_start3A_66 = tpu.memref_squeeze %dma_start3A_65 : memref<1x1x128x128xf32, #tpu.memory_space<hbm>> -> memref<128x128xf32, #tpu.memory_space<hbm>>
      %dma_start3A_67 = arith.constant 0 : i32
      %dma_start3A_68 = arith.constant 0 : i32
      %dma_start3A_69 = tpu.memref_slice %arg4[%add3A, %add3A_55, %dma_start3A_67, %dma_start3A_68] : memref<32x64x128x128xf32, #tpu.memory_space<hbm>> -> memref<1x1x128x128xf32, #tpu.memory_space<hbm>>
      %dma_start3A_70 = tpu.memref_squeeze %dma_start3A_69 : memref<1x1x128x128xf32, #tpu.memory_space<hbm>> -> memref<128x128xf32, #tpu.memory_space<hbm>>
      tpu.enqueue_dma source(%arg8 : memref<128x128xf32, #tpu.memory_space<vmem>>) target(%dma_start3A_70 : memref<128x128xf32, #tpu.memory_space<hbm>>) target_semaphore(%arg12 : memref<!tpu.dma_semaphore, #tpu.memory_space<semaphore_mem>>)
      %dma_wait3A_71 = arith.constant 0 : i32
      %dma_wait3A_72 = arith.constant 0 : i32
      %dma_wait3A_73 = tpu.memref_slice %arg4[%add3A, %add3A_55, %dma_wait3A_71, %dma_wait3A_72] : memref<32x64x128x128xf32, #tpu.memory_space<hbm>> -> memref<1x1x128x128xf32, #tpu.memory_space<hbm>>
      %dma_wait3A_74 = tpu.memref_squeeze %dma_wait3A_73 : memref<1x1x128x128xf32, #tpu.memory_space<hbm>> -> memref<128x128xf32, #tpu.memory_space<hbm>>
      %dma_wait3A_75 = arith.constant 0 : i32
      %dma_wait3A_76 = arith.constant 0 : i32
      %dma_wait3A_77 = tpu.memref_slice %arg4[%add3A, %add3A_55, %dma_wait3A_75, %dma_wait3A_76] : memref<32x64x128x128xf32, #tpu.memory_space<hbm>> -> memref<1x1x128x128xf32, #tpu.memory_space<hbm>>
      %dma_wait3A_78 = tpu.memref_squeeze %dma_wait3A_77 : memref<1x1x128x128xf32, #tpu.memory_space<hbm>> -> memref<128x128xf32, #tpu.memory_space<hbm>>
      tpu.wait_dma2 semaphore(%arg12 : memref<!tpu.dma_semaphore, #tpu.memory_space<semaphore_mem>>) src(%arg8 : memref<128x128xf32, #tpu.memory_space<vmem>>) dst(%dma_wait3A_78 : memref<128x128xf32, #tpu.memory_space<hbm>>)
      %add3A_79 = arith.constant 2 : i32
      %add3A_80 = arith.addi %add3A_55, %add3A_79 : i32
      %lt3A_81 = arith.constant 64 : i32
      %lt3A_82 = arith.cmpi slt, %add3A_80, %lt3A_81 : i32
      %convert_element_type3A_83 = arith.extui %lt3A_82 : i1 to i32
      %cond3A_84 = arith.constant 0 : i32
      %cond3A_85 = arith.cmpi ne, %convert_element_type3A_83, %cond3A_84 : i32
      scf.if %cond3A_85 {
        %dma_start3A_86 = arith.constant 0 : i32
        %dma_start3A_87 = tpu.memref_slice %arg6[%add3A_80, %dma_start3A_86] : memref<64x128xi32, #tpu.memory_space<vmem>> -> memref<1x128xi32, #tpu.memory_space<vmem>>
        %dma_start3A_88 = tpu.memref_squeeze %dma_start3A_87 : memref<1x128xi32, #tpu.memory_space<vmem>> -> memref<128xi32, #tpu.memory_space<vmem>>
        %dma_start3A_89 = arith.constant 0 : i32
        %dma_start3A_90 = arith.constant 0 : i32
        %dma_start3A_91 = tpu.memref_slice %arg5[%dma_start3A_89, %dma_start3A_90] : memref<4096x128xf32, #tpu.memory_space<vmem_shared>> -> memref<4096x128xf32, #tpu.memory_space<vmem_shared>>
        tpu.enqueue_indirect_dma source(%dma_start3A_91 : memref<4096x128xf32, #tpu.memory_space<vmem_shared>>) target(%arg8 : memref<128x128xf32, #tpu.memory_space<vmem>>) offsets(%dma_start3A_88 : memref<128xi32, #tpu.memory_space<vmem>>) semaphore(%arg10 : memref<!tpu.dma_semaphore, #tpu.memory_space<semaphore_mem>>)
      } else {
      }
    }
    %scan3A_20 = arith.constant 32 : i32
    return
  }
}

module attributes {stable_mosaic.version = 14 : i64} {
  func.func @_nfe_body(%arg0: i32, %arg1: memref<4x64x128xf32, #tpu.memory_space<vmem>>, %arg2: memref<2x128xf32, #tpu.memory_space<vmem>>, %arg3: memref<4x4096x128xf32, #tpu.memory_space<vmem>>) attributes {dimension_semantics = [#tpu.dimension_semantics<arbitrary>], iteration_bounds = array<i64: 16>, scalar_prefetch = 0 : i64, scratch_operands = 0 : i64, tpu.core_type = #tpu.core_type<tc>, window_params = [{transform_indices = @transform_0, window_bounds = array<i64: 4, 64, 128>}, {pipeline_mode = #tpu.pipeline_mode<synchronous>, transform_indices = @transform_1, window_bounds = array<i64: 2, 128>}, {transform_indices = @transform_2, window_bounds = array<i64: 4, 4096, 128>}]} {
    %get3A = arith.constant 0 : index
    %get3A_0 = arith.constant 0 : index
    %get3A_1 = vector.load %arg2[%get3A, %get3A_0] : memref<2x128xf32, #tpu.memory_space<vmem>>, vector<2x128xf32>
    %get3A_2 = arith.constant 0 : index
    %get3A_3 = arith.constant 0 : index
    %get3A_4 = arith.constant 0 : index
    %get3A_5 = vector.load %arg1[%get3A_2, %get3A_3, %get3A_4] : memref<4x64x128xf32, #tpu.memory_space<vmem>>, vector<1x64x128xf32>
    %get3A_6 = vector.shape_cast %get3A_5 : vector<1x64x128xf32> to vector<64x128xf32>
    %slice3A = vector.extract_strided_slice %get3A_6 {offsets = [0, 0], sizes = [2, 128], strides = [1, 1]} : vector<64x128xf32> to vector<2x128xf32>
    %dot_general3A = arith.constant dense<0.000000e+00> : vector<128x128xf32>
    %dot_general3A_7 = tpu.matmul %slice3A, %get3A_1, %dot_general3A {dimension_numbers = #tpu.dot_dimension_numbers<[0], [0], [1], [1], [0, 1, 1, 1], [], []>, transpose_lhs_hint = false} : vector<2x128xf32>, vector<2x128xf32>, vector<128x128xf32> -> vector<128x128xf32>
    %swap3A = arith.constant 0 : index
    %swap3A_8 = arith.constant 0 : index
    %swap3A_9 = arith.constant 0 : index
    %swap3A_10 = vector.load %arg3[%swap3A, %swap3A_8, %swap3A_9] : memref<4x4096x128xf32, #tpu.memory_space<vmem>>, vector<1x128x128xf32>
    %swap3A_11 = vector.shape_cast %swap3A_10 : vector<1x128x128xf32> to vector<128x128xf32>
    %swap3A_12 = vector.shape_cast %dot_general3A_7 : vector<128x128xf32> to vector<1x128x128xf32>
    tpu.vector_store %arg3[%swap3A, %swap3A_8, %swap3A_9], %swap3A_12 {strides = array<i32>} : memref<4x4096x128xf32, #tpu.memory_space<vmem>>, vector<1x128x128xf32>,
    %slice3A_13 = vector.extract_strided_slice %get3A_6 {offsets = [2, 0], sizes = [2, 128], strides = [1, 1]} : vector<64x128xf32> to vector<2x128xf32>
    %dot_general3A_14 = arith.constant dense<0.000000e+00> : vector<128x128xf32>
    %dot_general3A_15 = tpu.matmul %slice3A_13, %get3A_1, %dot_general3A_14 {dimension_numbers = #tpu.dot_dimension_numbers<[0], [0], [1], [1], [0, 1, 1, 1], [], []>, transpose_lhs_hint = false} : vector<2x128xf32>, vector<2x128xf32>, vector<128x128xf32> -> vector<128x128xf32>
    %swap3A_16 = arith.constant 0 : index
    %swap3A_17 = arith.constant 128 : index
    %swap3A_18 = arith.constant 0 : index
    %swap3A_19 = vector.load %arg3[%swap3A_16, %swap3A_17, %swap3A_18] : memref<4x4096x128xf32, #tpu.memory_space<vmem>>, vector<1x128x128xf32>
    %swap3A_20 = vector.shape_cast %swap3A_19 : vector<1x128x128xf32> to vector<128x128xf32>
    %swap3A_21 = vector.shape_cast %dot_general3A_15 : vector<128x128xf32> to vector<1x128x128xf32>
    tpu.vector_store %arg3[%swap3A_16, %swap3A_17, %swap3A_18], %swap3A_21 {strides = array<i32>} : memref<4x4096x128xf32, #tpu.memory_space<vmem>>, vector<1x128x128xf32>,
    %slice3A_22 = vector.extract_strided_slice %get3A_6 {offsets = [4, 0], sizes = [2, 128], strides = [1, 1]} : vector<64x128xf32> to vector<2x128xf32>
    %dot_general3A_23 = arith.constant dense<0.000000e+00> : vector<128x128xf32>
    %dot_general3A_24 = tpu.matmul %slice3A_22, %get3A_1, %dot_general3A_23 {dimension_numbers = #tpu.dot_dimension_numbers<[0], [0], [1], [1], [0, 1, 1, 1], [], []>, transpose_lhs_hint = false} : vector<2x128xf32>, vector<2x128xf32>, vector<128x128xf32> -> vector<128x128xf32>
    %swap3A_25 = arith.constant 0 : index
    %swap3A_26 = arith.constant 256 : index
    %swap3A_27 = arith.constant 0 : index
    %swap3A_28 = vector.load %arg3[%swap3A_25, %swap3A_26, %swap3A_27] : memref<4x4096x128xf32, #tpu.memory_space<vmem>>, vector<1x128x128xf32>
    %swap3A_29 = vector.shape_cast %swap3A_28 : vector<1x128x128xf32> to vector<128x128xf32>
    %swap3A_30 = vector.shape_cast %dot_general3A_24 : vector<128x128xf32> to vector<1x128x128xf32>
    tpu.vector_store %arg3[%swap3A_25, %swap3A_26, %swap3A_27], %swap3A_30 {strides = array<i32>} : memref<4x4096x128xf32, #tpu.memory_space<vmem>>, vector<1x128x128xf32>,
    %slice3A_31 = vector.extract_strided_slice %get3A_6 {offsets = [6, 0], sizes = [2, 128], strides = [1, 1]} : vector<64x128xf32> to vector<2x128xf32>
    %dot_general3A_32 = arith.constant dense<0.000000e+00> : vector<128x128xf32>
    %dot_general3A_33 = tpu.matmul %slice3A_31, %get3A_1, %dot_general3A_32 {dimension_numbers = #tpu.dot_dimension_numbers<[0], [0], [1], [1], [0, 1, 1, 1], [], []>, transpose_lhs_hint = false} : vector<2x128xf32>, vector<2x128xf32>, vector<128x128xf32> -> vector<128x128xf32>
    %swap3A_34 = arith.constant 0 : index
    %swap3A_35 = arith.constant 384 : index
    %swap3A_36 = arith.constant 0 : index
    %swap3A_37 = vector.load %arg3[%swap3A_34, %swap3A_35, %swap3A_36] : memref<4x4096x128xf32, #tpu.memory_space<vmem>>, vector<1x128x128xf32>
    %swap3A_38 = vector.shape_cast %swap3A_37 : vector<1x128x128xf32> to vector<128x128xf32>
    %swap3A_39 = vector.shape_cast %dot_general3A_33 : vector<128x128xf32> to vector<1x128x128xf32>
    tpu.vector_store %arg3[%swap3A_34, %swap3A_35, %swap3A_36], %swap3A_39 {strides = array<i32>} : memref<4x4096x128xf32, #tpu.memory_space<vmem>>, vector<1x128x128xf32>,
    %slice3A_40 = vector.extract_strided_slice %get3A_6 {offsets = [8, 0], sizes = [2, 128], strides = [1, 1]} : vector<64x128xf32> to vector<2x128xf32>
    %dot_general3A_41 = arith.constant dense<0.000000e+00> : vector<128x128xf32>
    %dot_general3A_42 = tpu.matmul %slice3A_40, %get3A_1, %dot_general3A_41 {dimension_numbers = #tpu.dot_dimension_numbers<[0], [0], [1], [1], [0, 1, 1, 1], [], []>, transpose_lhs_hint = false} : vector<2x128xf32>, vector<2x128xf32>, vector<128x128xf32> -> vector<128x128xf32>
    %swap3A_43 = arith.constant 0 : index
    %swap3A_44 = arith.constant 512 : index
    %swap3A_45 = arith.constant 0 : index
    %swap3A_46 = vector.load %arg3[%swap3A_43, %swap3A_44, %swap3A_45] : memref<4x4096x128xf32, #tpu.memory_space<vmem>>, vector<1x128x128xf32>
    %swap3A_47 = vector.shape_cast %swap3A_46 : vector<1x128x128xf32> to vector<128x128xf32>
    %swap3A_48 = vector.shape_cast %dot_general3A_42 : vector<128x128xf32> to vector<1x128x128xf32>
    tpu.vector_store %arg3[%swap3A_43, %swap3A_44, %swap3A_45], %swap3A_48 {strides = array<i32>} : memref<4x4096x128xf32, #tpu.memory_space<vmem>>, vector<1x128x128xf32>,
    %slice3A_49 = vector.extract_strided_slice %get3A_6 {offsets = [10, 0], sizes = [2, 128], strides = [1, 1]} : vector<64x128xf32> to vector<2x128xf32>
    %dot_general3A_50 = arith.constant dense<0.000000e+00> : vector<128x128xf32>
    %dot_general3A_51 = tpu.matmul %slice3A_49, %get3A_1, %dot_general3A_50 {dimension_numbers = #tpu.dot_dimension_numbers<[0], [0], [1], [1], [0, 1, 1, 1], [], []>, transpose_lhs_hint = false} : vector<2x128xf32>, vector<2x128xf32>, vector<128x128xf32> -> vector<128x128xf32>
    %swap3A_52 = arith.constant 0 : index
    %swap3A_53 = arith.constant 640 : index
    %swap3A_54 = arith.constant 0 : index
    %swap3A_55 = vector.load %arg3[%swap3A_52, %swap3A_53, %swap3A_54] : memref<4x4096x128xf32, #tpu.memory_space<vmem>>, vector<1x128x128xf32>
    %swap3A_56 = vector.shape_cast %swap3A_55 : vector<1x128x128xf32> to vector<128x128xf32>
    %swap3A_57 = vector.shape_cast %dot_general3A_51 : vector<128x128xf32> to vector<1x128x128xf32>
    tpu.vector_store %arg3[%swap3A_52, %swap3A_53, %swap3A_54], %swap3A_57 {strides = array<i32>} : memref<4x4096x128xf32, #tpu.memory_space<vmem>>, vector<1x128x128xf32>,
    %slice3A_58 = vector.extract_strided_slice %get3A_6 {offsets = [12, 0], sizes = [2, 128], strides = [1, 1]} : vector<64x128xf32> to vector<2x128xf32>
    %dot_general3A_59 = arith.constant dense<0.000000e+00> : vector<128x128xf32>
    %dot_general3A_60 = tpu.matmul %slice3A_58, %get3A_1, %dot_general3A_59 {dimension_numbers = #tpu.dot_dimension_numbers<[0], [0], [1], [1], [0, 1, 1, 1], [], []>, transpose_lhs_hint = false} : vector<2x128xf32>, vector<2x128xf32>, vector<128x128xf32> -> vector<128x128xf32>
    %swap3A_61 = arith.constant 0 : index
    %swap3A_62 = arith.constant 768 : index
    %swap3A_63 = arith.constant 0 : index
    %swap3A_64 = vector.load %arg3[%swap3A_61, %swap3A_62, %swap3A_63] : memref<4x4096x128xf32, #tpu.memory_space<vmem>>, vector<1x128x128xf32>
    %swap3A_65 = vector.shape_cast %swap3A_64 : vector<1x128x128xf32> to vector<128x128xf32>
    %swap3A_66 = vector.shape_cast %dot_general3A_60 : vector<128x128xf32> to vector<1x128x128xf32>
    tpu.vector_store %arg3[%swap3A_61, %swap3A_62, %swap3A_63], %swap3A_66 {strides = array<i32>} : memref<4x4096x128xf32, #tpu.memory_space<vmem>>, vector<1x128x128xf32>,
    %slice3A_67 = vector.extract_strided_slice %get3A_6 {offsets = [14, 0], sizes = [2, 128], strides = [1, 1]} : vector<64x128xf32> to vector<2x128xf32>
    %dot_general3A_68 = arith.constant dense<0.000000e+00> : vector<128x128xf32>
    %dot_general3A_69 = tpu.matmul %slice3A_67, %get3A_1, %dot_general3A_68 {dimension_numbers = #tpu.dot_dimension_numbers<[0], [0], [1], [1], [0, 1, 1, 1], [], []>, transpose_lhs_hint = false} : vector<2x128xf32>, vector<2x128xf32>, vector<128x128xf32> -> vector<128x128xf32>
    %swap3A_70 = arith.constant 0 : index
    %swap3A_71 = arith.constant 896 : index
    %swap3A_72 = arith.constant 0 : index
    %swap3A_73 = vector.load %arg3[%swap3A_70, %swap3A_71, %swap3A_72] : memref<4x4096x128xf32, #tpu.memory_space<vmem>>, vector<1x128x128xf32>
    %swap3A_74 = vector.shape_cast %swap3A_73 : vector<1x128x128xf32> to vector<128x128xf32>
    %swap3A_75 = vector.shape_cast %dot_general3A_69 : vector<128x128xf32> to vector<1x128x128xf32>
    tpu.vector_store %arg3[%swap3A_70, %swap3A_71, %swap3A_72], %swap3A_75 {strides = array<i32>} : memref<4x4096x128xf32, #tpu.memory_space<vmem>>, vector<1x128x128xf32>,
    %slice3A_76 = vector.extract_strided_slice %get3A_6 {offsets = [16, 0], sizes = [2, 128], strides = [1, 1]} : vector<64x128xf32> to vector<2x128xf32>
    %dot_general3A_77 = arith.constant dense<0.000000e+00> : vector<128x128xf32>
    %dot_general3A_78 = tpu.matmul %slice3A_76, %get3A_1, %dot_general3A_77 {dimension_numbers = #tpu.dot_dimension_numbers<[0], [0], [1], [1], [0, 1, 1, 1], [], []>, transpose_lhs_hint = false} : vector<2x128xf32>, vector<2x128xf32>, vector<128x128xf32> -> vector<128x128xf32>
    %swap3A_79 = arith.constant 0 : index
    %swap3A_80 = arith.constant 1024 : index
    %swap3A_81 = arith.constant 0 : index
    %swap3A_82 = vector.load %arg3[%swap3A_79, %swap3A_80, %swap3A_81] : memref<4x4096x128xf32, #tpu.memory_space<vmem>>, vector<1x128x128xf32>
    %swap3A_83 = vector.shape_cast %swap3A_82 : vector<1x128x128xf32> to vector<128x128xf32>
    %swap3A_84 = vector.shape_cast %dot_general3A_78 : vector<128x128xf32> to vector<1x128x128xf32>
    tpu.vector_store %arg3[%swap3A_79, %swap3A_80, %swap3A_81], %swap3A_84 {strides = array<i32>} : memref<4x4096x128xf32, #tpu.memory_space<vmem>>, vector<1x128x128xf32>,
    %slice3A_85 = vector.extract_strided_slice %get3A_6 {offsets = [18, 0], sizes = [2, 128], strides = [1, 1]} : vector<64x128xf32> to vector<2x128xf32>
    %dot_general3A_86 = arith.constant dense<0.000000e+00> : vector<128x128xf32>
    %dot_general3A_87 = tpu.matmul %slice3A_85, %get3A_1, %dot_general3A_86 {dimension_numbers = #tpu.dot_dimension_numbers<[0], [0], [1], [1], [0, 1, 1, 1], [], []>, transpose_lhs_hint = false} : vector<2x128xf32>, vector<2x128xf32>, vector<128x128xf32> -> vector<128x128xf32>
    %swap3A_88 = arith.constant 0 : index
    %swap3A_89 = arith.constant 1152 : index
    %swap3A_90 = arith.constant 0 : index
    %swap3A_91 = vector.load %arg3[%swap3A_88, %swap3A_89, %swap3A_90] : memref<4x4096x128xf32, #tpu.memory_space<vmem>>, vector<1x128x128xf32>
    %swap3A_92 = vector.shape_cast %swap3A_91 : vector<1x128x128xf32> to vector<128x128xf32>
    %swap3A_93 = vector.shape_cast %dot_general3A_87 : vector<128x128xf32> to vector<1x128x128xf32>
    tpu.vector_store %arg3[%swap3A_88, %swap3A_89, %swap3A_90], %swap3A_93 {strides = array<i32>} : memref<4x4096x128xf32, #tpu.memory_space<vmem>>, vector<1x128x128xf32>,
    %slice3A_94 = vector.extract_strided_slice %get3A_6 {offsets = [20, 0], sizes = [2, 128], strides = [1, 1]} : vector<64x128xf32> to vector<2x128xf32>
    %dot_general3A_95 = arith.constant dense<0.000000e+00> : vector<128x128xf32>
    %dot_general3A_96 = tpu.matmul %slice3A_94, %get3A_1, %dot_general3A_95 {dimension_numbers = #tpu.dot_dimension_numbers<[0], [0], [1], [1], [0, 1, 1, 1], [], []>, transpose_lhs_hint = false} : vector<2x128xf32>, vector<2x128xf32>, vector<128x128xf32> -> vector<128x128xf32>
    %swap3A_97 = arith.constant 0 : index
    %swap3A_98 = arith.constant 1280 : index
    %swap3A_99 = arith.constant 0 : index
    %swap3A_100 = vector.load %arg3[%swap3A_97, %swap3A_98, %swap3A_99] : memref<4x4096x128xf32, #tpu.memory_space<vmem>>, vector<1x128x128xf32>
    %swap3A_101 = vector.shape_cast %swap3A_100 : vector<1x128x128xf32> to vector<128x128xf32>
    %swap3A_102 = vector.shape_cast %dot_general3A_96 : vector<128x128xf32> to vector<1x128x128xf32>
    tpu.vector_store %arg3[%swap3A_97, %swap3A_98, %swap3A_99], %swap3A_102 {strides = array<i32>} : memref<4x4096x128xf32, #tpu.memory_space<vmem>>, vector<1x128x128xf32>,
    %slice3A_103 = vector.extract_strided_slice %get3A_6 {offsets = [22, 0], sizes = [2, 128], strides = [1, 1]} : vector<64x128xf32> to vector<2x128xf32>
    %dot_general3A_104 = arith.constant dense<0.000000e+00> : vector<128x128xf32>
    %dot_general3A_105 = tpu.matmul %slice3A_103, %get3A_1, %dot_general3A_104 {dimension_numbers = #tpu.dot_dimension_numbers<[0], [0], [1], [1], [0, 1, 1, 1], [], []>, transpose_lhs_hint = false} : vector<2x128xf32>, vector<2x128xf32>, vector<128x128xf32> -> vector<128x128xf32>
    %swap3A_106 = arith.constant 0 : index
    %swap3A_107 = arith.constant 1408 : index
    %swap3A_108 = arith.constant 0 : index
    %swap3A_109 = vector.load %arg3[%swap3A_106, %swap3A_107, %swap3A_108] : memref<4x4096x128xf32, #tpu.memory_space<vmem>>, vector<1x128x128xf32>
    %swap3A_110 = vector.shape_cast %swap3A_109 : vector<1x128x128xf32> to vector<128x128xf32>
    %swap3A_111 = vector.shape_cast %dot_general3A_105 : vector<128x128xf32> to vector<1x128x128xf32>
    tpu.vector_store %arg3[%swap3A_106, %swap3A_107, %swap3A_108], %swap3A_111 {strides = array<i32>} : memref<4x4096x128xf32, #tpu.memory_space<vmem>>, vector<1x128x128xf32>,
    %slice3A_112 = vector.extract_strided_slice %get3A_6 {offsets = [24, 0], sizes = [2, 128], strides = [1, 1]} : vector<64x128xf32> to vector<2x128xf32>
    %dot_general3A_113 = arith.constant dense<0.000000e+00> : vector<128x128xf32>
    %dot_general3A_114 = tpu.matmul %slice3A_112, %get3A_1, %dot_general3A_113 {dimension_numbers = #tpu.dot_dimension_numbers<[0], [0], [1], [1], [0, 1, 1, 1], [], []>, transpose_lhs_hint = false} : vector<2x128xf32>, vector<2x128xf32>, vector<128x128xf32> -> vector<128x128xf32>
    %swap3A_115 = arith.constant 0 : index
    %swap3A_116 = arith.constant 1536 : index
    %swap3A_117 = arith.constant 0 : index
    %swap3A_118 = vector.load %arg3[%swap3A_115, %swap3A_116, %swap3A_117] : memref<4x4096x128xf32, #tpu.memory_space<vmem>>, vector<1x128x128xf32>
    %swap3A_119 = vector.shape_cast %swap3A_118 : vector<1x128x128xf32> to vector<128x128xf32>
    %swap3A_120 = vector.shape_cast %dot_general3A_114 : vector<128x128xf32> to vector<1x128x128xf32>
    tpu.vector_store %arg3[%swap3A_115, %swap3A_116, %swap3A_117], %swap3A_120 {strides = array<i32>} : memref<4x4096x128xf32, #tpu.memory_space<vmem>>, vector<1x128x128xf32>,
    %slice3A_121 = vector.extract_strided_slice %get3A_6 {offsets = [26, 0], sizes = [2, 128], strides = [1, 1]} : vector<64x128xf32> to vector<2x128xf32>
    %dot_general3A_122 = arith.constant dense<0.000000e+00> : vector<128x128xf32>
    %dot_general3A_123 = tpu.matmul %slice3A_121, %get3A_1, %dot_general3A_122 {dimension_numbers = #tpu.dot_dimension_numbers<[0], [0], [1], [1], [0, 1, 1, 1], [], []>, transpose_lhs_hint = false} : vector<2x128xf32>, vector<2x128xf32>, vector<128x128xf32> -> vector<128x128xf32>
    %swap3A_124 = arith.constant 0 : index
    %swap3A_125 = arith.constant 1664 : index
    %swap3A_126 = arith.constant 0 : index
    %swap3A_127 = vector.load %arg3[%swap3A_124, %swap3A_125, %swap3A_126] : memref<4x4096x128xf32, #tpu.memory_space<vmem>>, vector<1x128x128xf32>
    %swap3A_128 = vector.shape_cast %swap3A_127 : vector<1x128x128xf32> to vector<128x128xf32>
    %swap3A_129 = vector.shape_cast %dot_general3A_123 : vector<128x128xf32> to vector<1x128x128xf32>
    tpu.vector_store %arg3[%swap3A_124, %swap3A_125, %swap3A_126], %swap3A_129 {strides = array<i32>} : memref<4x4096x128xf32, #tpu.memory_space<vmem>>, vector<1x128x128xf32>,
    %slice3A_130 = vector.extract_strided_slice %get3A_6 {offsets = [28, 0], sizes = [2, 128], strides = [1, 1]} : vector<64x128xf32> to vector<2x128xf32>
    %dot_general3A_131 = arith.constant dense<0.000000e+00> : vector<128x128xf32>
    %dot_general3A_132 = tpu.matmul %slice3A_130, %get3A_1, %dot_general3A_131 {dimension_numbers = #tpu.dot_dimension_numbers<[0], [0], [1], [1], [0, 1, 1, 1], [], []>, transpose_lhs_hint = false} : vector<2x128xf32>, vector<2x128xf32>, vector<128x128xf32> -> vector<128x128xf32>
    %swap3A_133 = arith.constant 0 : index
    %swap3A_134 = arith.constant 1792 : index
    %swap3A_135 = arith.constant 0 : index
    %swap3A_136 = vector.load %arg3[%swap3A_133, %swap3A_134, %swap3A_135] : memref<4x4096x128xf32, #tpu.memory_space<vmem>>, vector<1x128x128xf32>
    %swap3A_137 = vector.shape_cast %swap3A_136 : vector<1x128x128xf32> to vector<128x128xf32>
    %swap3A_138 = vector.shape_cast %dot_general3A_132 : vector<128x128xf32> to vector<1x128x128xf32>
    tpu.vector_store %arg3[%swap3A_133, %swap3A_134, %swap3A_135], %swap3A_138 {strides = array<i32>} : memref<4x4096x128xf32, #tpu.memory_space<vmem>>, vector<1x128x128xf32>,
    %slice3A_139 = vector.extract_strided_slice %get3A_6 {offsets = [30, 0], sizes = [2, 128], strides = [1, 1]} : vector<64x128xf32> to vector<2x128xf32>
    %dot_general3A_140 = arith.constant dense<0.000000e+00> : vector<128x128xf32>
    %dot_general3A_141 = tpu.matmul %slice3A_139, %get3A_1, %dot_general3A_140 {dimension_numbers = #tpu.dot_dimension_numbers<[0], [0], [1], [1], [0, 1, 1, 1], [], []>, transpose_lhs_hint = false} : vector<2x128xf32>, vector<2x128xf32>, vector<128x128xf32> -> vector<128x128xf32>
    %swap3A_142 = arith.constant 0 : index
    %swap3A_143 = arith.constant 1920 : index
    %swap3A_144 = arith.constant 0 : index
    %swap3A_145 = vector.load %arg3[%swap3A_142, %swap3A_143, %swap3A_144] : memref<4x4096x128xf32, #tpu.memory_space<vmem>>, vector<1x128x128xf32>
    %swap3A_146 = vector.shape_cast %swap3A_145 : vector<1x128x128xf32> to vector<128x128xf32>
    %swap3A_147 = vector.shape_cast %dot_general3A_141 : vector<128x128xf32> to vector<1x128x128xf32>
    tpu.vector_store %arg3[%swap3A_142, %swap3A_143, %swap3A_144], %swap3A_147 {strides = array<i32>} : memref<4x4096x128xf32, #tpu.memory_space<vmem>>, vector<1x128x128xf32>,
    %slice3A_148 = vector.extract_strided_slice %get3A_6 {offsets = [32, 0], sizes = [2, 128], strides = [1, 1]} : vector<64x128xf32> to vector<2x128xf32>
    %dot_general3A_149 = arith.constant dense<0.000000e+00> : vector<128x128xf32>
    %dot_general3A_150 = tpu.matmul %slice3A_148, %get3A_1, %dot_general3A_149 {dimension_numbers = #tpu.dot_dimension_numbers<[0], [0], [1], [1], [0, 1, 1, 1], [], []>, transpose_lhs_hint = false} : vector<2x128xf32>, vector<2x128xf32>, vector<128x128xf32> -> vector<128x128xf32>
    %swap3A_151 = arith.constant 0 : index
    %swap3A_152 = arith.constant 2048 : index
    %swap3A_153 = arith.constant 0 : index
    %swap3A_154 = vector.load %arg3[%swap3A_151, %swap3A_152, %swap3A_153] : memref<4x4096x128xf32, #tpu.memory_space<vmem>>, vector<1x128x128xf32>
    %swap3A_155 = vector.shape_cast %swap3A_154 : vector<1x128x128xf32> to vector<128x128xf32>
    %swap3A_156 = vector.shape_cast %dot_general3A_150 : vector<128x128xf32> to vector<1x128x128xf32>
    tpu.vector_store %arg3[%swap3A_151, %swap3A_152, %swap3A_153], %swap3A_156 {strides = array<i32>} : memref<4x4096x128xf32, #tpu.memory_space<vmem>>, vector<1x128x128xf32>,
    %slice3A_157 = vector.extract_strided_slice %get3A_6 {offsets = [34, 0], sizes = [2, 128], strides = [1, 1]} : vector<64x128xf32> to vector<2x128xf32>
    %dot_general3A_158 = arith.constant dense<0.000000e+00> : vector<128x128xf32>
    %dot_general3A_159 = tpu.matmul %slice3A_157, %get3A_1, %dot_general3A_158 {dimension_numbers = #tpu.dot_dimension_numbers<[0], [0], [1], [1], [0, 1, 1, 1], [], []>, transpose_lhs_hint = false} : vector<2x128xf32>, vector<2x128xf32>, vector<128x128xf32> -> vector<128x128xf32>
    %swap3A_160 = arith.constant 0 : index
    %swap3A_161 = arith.constant 2176 : index
    %swap3A_162 = arith.constant 0 : index
    %swap3A_163 = vector.load %arg3[%swap3A_160, %swap3A_161, %swap3A_162] : memref<4x4096x128xf32, #tpu.memory_space<vmem>>, vector<1x128x128xf32>
    %swap3A_164 = vector.shape_cast %swap3A_163 : vector<1x128x128xf32> to vector<128x128xf32>
    %swap3A_165 = vector.shape_cast %dot_general3A_159 : vector<128x128xf32> to vector<1x128x128xf32>
    tpu.vector_store %arg3[%swap3A_160, %swap3A_161, %swap3A_162], %swap3A_165 {strides = array<i32>} : memref<4x4096x128xf32, #tpu.memory_space<vmem>>, vector<1x128x128xf32>,
    %slice3A_166 = vector.extract_strided_slice %get3A_6 {offsets = [36, 0], sizes = [2, 128], strides = [1, 1]} : vector<64x128xf32> to vector<2x128xf32>
    %dot_general3A_167 = arith.constant dense<0.000000e+00> : vector<128x128xf32>
    %dot_general3A_168 = tpu.matmul %slice3A_166, %get3A_1, %dot_general3A_167 {dimension_numbers = #tpu.dot_dimension_numbers<[0], [0], [1], [1], [0, 1, 1, 1], [], []>, transpose_lhs_hint = false} : vector<2x128xf32>, vector<2x128xf32>, vector<128x128xf32> -> vector<128x128xf32>
    %swap3A_169 = arith.constant 0 : index
    %swap3A_170 = arith.constant 2304 : index
    %swap3A_171 = arith.constant 0 : index
    %swap3A_172 = vector.load %arg3[%swap3A_169, %swap3A_170, %swap3A_171] : memref<4x4096x128xf32, #tpu.memory_space<vmem>>, vector<1x128x128xf32>
    %swap3A_173 = vector.shape_cast %swap3A_172 : vector<1x128x128xf32> to vector<128x128xf32>
    %swap3A_174 = vector.shape_cast %dot_general3A_168 : vector<128x128xf32> to vector<1x128x128xf32>
    tpu.vector_store %arg3[%swap3A_169, %swap3A_170, %swap3A_171], %swap3A_174 {strides = array<i32>} : memref<4x4096x128xf32, #tpu.memory_space<vmem>>, vector<1x128x128xf32>,
    %slice3A_175 = vector.extract_strided_slice %get3A_6 {offsets = [38, 0], sizes = [2, 128], strides = [1, 1]} : vector<64x128xf32> to vector<2x128xf32>
    %dot_general3A_176 = arith.constant dense<0.000000e+00> : vector<128x128xf32>
    %dot_general3A_177 = tpu.matmul %slice3A_175, %get3A_1, %dot_general3A_176 {dimension_numbers = #tpu.dot_dimension_numbers<[0], [0], [1], [1], [0, 1, 1, 1], [], []>, transpose_lhs_hint = false} : vector<2x128xf32>, vector<2x128xf32>, vector<128x128xf32> -> vector<128x128xf32>
    %swap3A_178 = arith.constant 0 : index
    %swap3A_179 = arith.constant 2432 : index
    %swap3A_180 = arith.constant 0 : index
    %swap3A_181 = vector.load %arg3[%swap3A_178, %swap3A_179, %swap3A_180] : memref<4x4096x128xf32, #tpu.memory_space<vmem>>, vector<1x128x128xf32>
    %swap3A_182 = vector.shape_cast %swap3A_181 : vector<1x128x128xf32> to vector<128x128xf32>
    %swap3A_183 = vector.shape_cast %dot_general3A_177 : vector<128x128xf32> to vector<1x128x128xf32>
    tpu.vector_store %arg3[%swap3A_178, %swap3A_179, %swap3A_180], %swap3A_183 {strides = array<i32>} : memref<4x4096x128xf32, #tpu.memory_space<vmem>>, vector<1x128x128xf32>,
    %slice3A_184 = vector.extract_strided_slice %get3A_6 {offsets = [40, 0], sizes = [2, 128], strides = [1, 1]} : vector<64x128xf32> to vector<2x128xf32>
    %dot_general3A_185 = arith.constant dense<0.000000e+00> : vector<128x128xf32>
    %dot_general3A_186 = tpu.matmul %slice3A_184, %get3A_1, %dot_general3A_185 {dimension_numbers = #tpu.dot_dimension_numbers<[0], [0], [1], [1], [0, 1, 1, 1], [], []>, transpose_lhs_hint = false} : vector<2x128xf32>, vector<2x128xf32>, vector<128x128xf32> -> vector<128x128xf32>
    %swap3A_187 = arith.constant 0 : index
    %swap3A_188 = arith.constant 2560 : index
    %swap3A_189 = arith.constant 0 : index
    %swap3A_190 = vector.load %arg3[%swap3A_187, %swap3A_188, %swap3A_189] : memref<4x4096x128xf32, #tpu.memory_space<vmem>>, vector<1x128x128xf32>
    %swap3A_191 = vector.shape_cast %swap3A_190 : vector<1x128x128xf32> to vector<128x128xf32>
    %swap3A_192 = vector.shape_cast %dot_general3A_186 : vector<128x128xf32> to vector<1x128x128xf32>
    tpu.vector_store %arg3[%swap3A_187, %swap3A_188, %swap3A_189], %swap3A_192 {strides = array<i32>} : memref<4x4096x128xf32, #tpu.memory_space<vmem>>, vector<1x128x128xf32>,
    %slice3A_193 = vector.extract_strided_slice %get3A_6 {offsets = [42, 0], sizes = [2, 128], strides = [1, 1]} : vector<64x128xf32> to vector<2x128xf32>
    %dot_general3A_194 = arith.constant dense<0.000000e+00> : vector<128x128xf32>
    %dot_general3A_195 = tpu.matmul %slice3A_193, %get3A_1, %dot_general3A_194 {dimension_numbers = #tpu.dot_dimension_numbers<[0], [0], [1], [1], [0, 1, 1, 1], [], []>, transpose_lhs_hint = false} : vector<2x128xf32>, vector<2x128xf32>, vector<128x128xf32> -> vector<128x128xf32>
    %swap3A_196 = arith.constant 0 : index
    %swap3A_197 = arith.constant 2688 : index
    %swap3A_198 = arith.constant 0 : index
    %swap3A_199 = vector.load %arg3[%swap3A_196, %swap3A_197, %swap3A_198] : memref<4x4096x128xf32, #tpu.memory_space<vmem>>, vector<1x128x128xf32>
    %swap3A_200 = vector.shape_cast %swap3A_199 : vector<1x128x128xf32> to vector<128x128xf32>
    %swap3A_201 = vector.shape_cast %dot_general3A_195 : vector<128x128xf32> to vector<1x128x128xf32>
    tpu.vector_store %arg3[%swap3A_196, %swap3A_197, %swap3A_198], %swap3A_201 {strides = array<i32>} : memref<4x4096x128xf32, #tpu.memory_space<vmem>>, vector<1x128x128xf32>,
    %slice3A_202 = vector.extract_strided_slice %get3A_6 {offsets = [44, 0], sizes = [2, 128], strides = [1, 1]} : vector<64x128xf32> to vector<2x128xf32>
    %dot_general3A_203 = arith.constant dense<0.000000e+00> : vector<128x128xf32>
    %dot_general3A_204 = tpu.matmul %slice3A_202, %get3A_1, %dot_general3A_203 {dimension_numbers = #tpu.dot_dimension_numbers<[0], [0], [1], [1], [0, 1, 1, 1], [], []>, transpose_lhs_hint = false} : vector<2x128xf32>, vector<2x128xf32>, vector<128x128xf32> -> vector<128x128xf32>
    %swap3A_205 = arith.constant 0 : index
    %swap3A_206 = arith.constant 2816 : index
    %swap3A_207 = arith.constant 0 : index
    %swap3A_208 = vector.load %arg3[%swap3A_205, %swap3A_206, %swap3A_207] : memref<4x4096x128xf32, #tpu.memory_space<vmem>>, vector<1x128x128xf32>
    %swap3A_209 = vector.shape_cast %swap3A_208 : vector<1x128x128xf32> to vector<128x128xf32>
    %swap3A_210 = vector.shape_cast %dot_general3A_204 : vector<128x128xf32> to vector<1x128x128xf32>
    tpu.vector_store %arg3[%swap3A_205, %swap3A_206, %swap3A_207], %swap3A_210 {strides = array<i32>} : memref<4x4096x128xf32, #tpu.memory_space<vmem>>, vector<1x128x128xf32>,
    %slice3A_211 = vector.extract_strided_slice %get3A_6 {offsets = [46, 0], sizes = [2, 128], strides = [1, 1]} : vector<64x128xf32> to vector<2x128xf32>
    %dot_general3A_212 = arith.constant dense<0.000000e+00> : vector<128x128xf32>
    %dot_general3A_213 = tpu.matmul %slice3A_211, %get3A_1, %dot_general3A_212 {dimension_numbers = #tpu.dot_dimension_numbers<[0], [0], [1], [1], [0, 1, 1, 1], [], []>, transpose_lhs_hint = false} : vector<2x128xf32>, vector<2x128xf32>, vector<128x128xf32> -> vector<128x128xf32>
    %swap3A_214 = arith.constant 0 : index
    %swap3A_215 = arith.constant 2944 : index
    %swap3A_216 = arith.constant 0 : index
    %swap3A_217 = vector.load %arg3[%swap3A_214, %swap3A_215, %swap3A_216] : memref<4x4096x128xf32, #tpu.memory_space<vmem>>, vector<1x128x128xf32>
    %swap3A_218 = vector.shape_cast %swap3A_217 : vector<1x128x128xf32> to vector<128x128xf32>
    %swap3A_219 = vector.shape_cast %dot_general3A_213 : vector<128x128xf32> to vector<1x128x128xf32>
    tpu.vector_store %arg3[%swap3A_214, %swap3A_215, %swap3A_216], %swap3A_219 {strides = array<i32>} : memref<4x4096x128xf32, #tpu.memory_space<vmem>>, vector<1x128x128xf32>,
    %slice3A_220 = vector.extract_strided_slice %get3A_6 {offsets = [48, 0], sizes = [2, 128], strides = [1, 1]} : vector<64x128xf32> to vector<2x128xf32>
    %dot_general3A_221 = arith.constant dense<0.000000e+00> : vector<128x128xf32>
    %dot_general3A_222 = tpu.matmul %slice3A_220, %get3A_1, %dot_general3A_221 {dimension_numbers = #tpu.dot_dimension_numbers<[0], [0], [1], [1], [0, 1, 1, 1], [], []>, transpose_lhs_hint = false} : vector<2x128xf32>, vector<2x128xf32>, vector<128x128xf32> -> vector<128x128xf32>
    %swap3A_223 = arith.constant 0 : index
    %swap3A_224 = arith.constant 3072 : index
    %swap3A_225 = arith.constant 0 : index
    %swap3A_226 = vector.load %arg3[%swap3A_223, %swap3A_224, %swap3A_225] : memref<4x4096x128xf32, #tpu.memory_space<vmem>>, vector<1x128x128xf32>
    %swap3A_227 = vector.shape_cast %swap3A_226 : vector<1x128x128xf32> to vector<128x128xf32>
    %swap3A_228 = vector.shape_cast %dot_general3A_222 : vector<128x128xf32> to vector<1x128x128xf32>
    tpu.vector_store %arg3[%swap3A_223, %swap3A_224, %swap3A_225], %swap3A_228 {strides = array<i32>} : memref<4x4096x128xf32, #tpu.memory_space<vmem>>, vector<1x128x128xf32>,
    %slice3A_229 = vector.extract_strided_slice %get3A_6 {offsets = [50, 0], sizes = [2, 128], strides = [1, 1]} : vector<64x128xf32> to vector<2x128xf32>
    %dot_general3A_230 = arith.constant dense<0.000000e+00> : vector<128x128xf32>
    %dot_general3A_231 = tpu.matmul %slice3A_229, %get3A_1, %dot_general3A_230 {dimension_numbers = #tpu.dot_dimension_numbers<[0], [0], [1], [1], [0, 1, 1, 1], [], []>, transpose_lhs_hint = false} : vector<2x128xf32>, vector<2x128xf32>, vector<128x128xf32> -> vector<128x128xf32>
    %swap3A_232 = arith.constant 0 : index
    %swap3A_233 = arith.constant 3200 : index
    %swap3A_234 = arith.constant 0 : index
    %swap3A_235 = vector.load %arg3[%swap3A_232, %swap3A_233, %swap3A_234] : memref<4x4096x128xf32, #tpu.memory_space<vmem>>, vector<1x128x128xf32>
    %swap3A_236 = vector.shape_cast %swap3A_235 : vector<1x128x128xf32> to vector<128x128xf32>
    %swap3A_237 = vector.shape_cast %dot_general3A_231 : vector<128x128xf32> to vector<1x128x128xf32>
    tpu.vector_store %arg3[%swap3A_232, %swap3A_233, %swap3A_234], %swap3A_237 {strides = array<i32>} : memref<4x4096x128xf32, #tpu.memory_space<vmem>>, vector<1x128x128xf32>,
    %slice3A_238 = vector.extract_strided_slice %get3A_6 {offsets = [52, 0], sizes = [2, 128], strides = [1, 1]} : vector<64x128xf32> to vector<2x128xf32>
    %dot_general3A_239 = arith.constant dense<0.000000e+00> : vector<128x128xf32>
    %dot_general3A_240 = tpu.matmul %slice3A_238, %get3A_1, %dot_general3A_239 {dimension_numbers = #tpu.dot_dimension_numbers<[0], [0], [1], [1], [0, 1, 1, 1], [], []>, transpose_lhs_hint = false} : vector<2x128xf32>, vector<2x128xf32>, vector<128x128xf32> -> vector<128x128xf32>
    %swap3A_241 = arith.constant 0 : index
    %swap3A_242 = arith.constant 3328 : index
    %swap3A_243 = arith.constant 0 : index
    %swap3A_244 = vector.load %arg3[%swap3A_241, %swap3A_242, %swap3A_243] : memref<4x4096x128xf32, #tpu.memory_space<vmem>>, vector<1x128x128xf32>
    %swap3A_245 = vector.shape_cast %swap3A_244 : vector<1x128x128xf32> to vector<128x128xf32>
    %swap3A_246 = vector.shape_cast %dot_general3A_240 : vector<128x128xf32> to vector<1x128x128xf32>
    tpu.vector_store %arg3[%swap3A_241, %swap3A_242, %swap3A_243], %swap3A_246 {strides = array<i32>} : memref<4x4096x128xf32, #tpu.memory_space<vmem>>, vector<1x128x128xf32>,
    %slice3A_247 = vector.extract_strided_slice %get3A_6 {offsets = [54, 0], sizes = [2, 128], strides = [1, 1]} : vector<64x128xf32> to vector<2x128xf32>
    %dot_general3A_248 = arith.constant dense<0.000000e+00> : vector<128x128xf32>
    %dot_general3A_249 = tpu.matmul %slice3A_247, %get3A_1, %dot_general3A_248 {dimension_numbers = #tpu.dot_dimension_numbers<[0], [0], [1], [1], [0, 1, 1, 1], [], []>, transpose_lhs_hint = false} : vector<2x128xf32>, vector<2x128xf32>, vector<128x128xf32> -> vector<128x128xf32>
    %swap3A_250 = arith.constant 0 : index
    %swap3A_251 = arith.constant 3456 : index
    %swap3A_252 = arith.constant 0 : index
    %swap3A_253 = vector.load %arg3[%swap3A_250, %swap3A_251, %swap3A_252] : memref<4x4096x128xf32, #tpu.memory_space<vmem>>, vector<1x128x128xf32>
    %swap3A_254 = vector.shape_cast %swap3A_253 : vector<1x128x128xf32> to vector<128x128xf32>
    %swap3A_255 = vector.shape_cast %dot_general3A_249 : vector<128x128xf32> to vector<1x128x128xf32>
    tpu.vector_store %arg3[%swap3A_250, %swap3A_251, %swap3A_252], %swap3A_255 {strides = array<i32>} : memref<4x4096x128xf32, #tpu.memory_space<vmem>>, vector<1x128x128xf32>,
    %slice3A_256 = vector.extract_strided_slice %get3A_6 {offsets = [56, 0], sizes = [2, 128], strides = [1, 1]} : vector<64x128xf32> to vector<2x128xf32>
    %dot_general3A_257 = arith.constant dense<0.000000e+00> : vector<128x128xf32>
    %dot_general3A_258 = tpu.matmul %slice3A_256, %get3A_1, %dot_general3A_257 {dimension_numbers = #tpu.dot_dimension_numbers<[0], [0], [1], [1], [0, 1, 1, 1], [], []>, transpose_lhs_hint = false} : vector<2x128xf32>, vector<2x128xf32>, vector<128x128xf32> -> vector<128x128xf32>
    %swap3A_259 = arith.constant 0 : index
    %swap3A_260 = arith.constant 3584 : index
    %swap3A_261 = arith.constant 0 : index
    %swap3A_262 = vector.load %arg3[%swap3A_259, %swap3A_260, %swap3A_261] : memref<4x4096x128xf32, #tpu.memory_space<vmem>>, vector<1x128x128xf32>
    %swap3A_263 = vector.shape_cast %swap3A_262 : vector<1x128x128xf32> to vector<128x128xf32>
    %swap3A_264 = vector.shape_cast %dot_general3A_258 : vector<128x128xf32> to vector<1x128x128xf32>
    tpu.vector_store %arg3[%swap3A_259, %swap3A_260, %swap3A_261], %swap3A_264 {strides = array<i32>} : memref<4x4096x128xf32, #tpu.memory_space<vmem>>, vector<1x128x128xf32>,
    %slice3A_265 = vector.extract_strided_slice %get3A_6 {offsets = [58, 0], sizes = [2, 128], strides = [1, 1]} : vector<64x128xf32> to vector<2x128xf32>
    %dot_general3A_266 = arith.constant dense<0.000000e+00> : vector<128x128xf32>
    %dot_general3A_267 = tpu.matmul %slice3A_265, %get3A_1, %dot_general3A_266 {dimension_numbers = #tpu.dot_dimension_numbers<[0], [0], [1], [1], [0, 1, 1, 1], [], []>, transpose_lhs_hint = false} : vector<2x128xf32>, vector<2x128xf32>, vector<128x128xf32> -> vector<128x128xf32>
    %swap3A_268 = arith.constant 0 : index
    %swap3A_269 = arith.constant 3712 : index
    %swap3A_270 = arith.constant 0 : index
    %swap3A_271 = vector.load %arg3[%swap3A_268, %swap3A_269, %swap3A_270] : memref<4x4096x128xf32, #tpu.memory_space<vmem>>, vector<1x128x128xf32>
    %swap3A_272 = vector.shape_cast %swap3A_271 : vector<1x128x128xf32> to vector<128x128xf32>
    %swap3A_273 = vector.shape_cast %dot_general3A_267 : vector<128x128xf32> to vector<1x128x128xf32>
    tpu.vector_store %arg3[%swap3A_268, %swap3A_269, %swap3A_270], %swap3A_273 {strides = array<i32>} : memref<4x4096x128xf32, #tpu.memory_space<vmem>>, vector<1x128x128xf32>,
    %slice3A_274 = vector.extract_strided_slice %get3A_6 {offsets = [60, 0], sizes = [2, 128], strides = [1, 1]} : vector<64x128xf32> to vector<2x128xf32>
    %dot_general3A_275 = arith.constant dense<0.000000e+00> : vector<128x128xf32>
    %dot_general3A_276 = tpu.matmul %slice3A_274, %get3A_1, %dot_general3A_275 {dimension_numbers = #tpu.dot_dimension_numbers<[0], [0], [1], [1], [0, 1, 1, 1], [], []>, transpose_lhs_hint = false} : vector<2x128xf32>, vector<2x128xf32>, vector<128x128xf32> -> vector<128x128xf32>
    %swap3A_277 = arith.constant 0 : index
    %swap3A_278 = arith.constant 3840 : index
    %swap3A_279 = arith.constant 0 : index
    %swap3A_280 = vector.load %arg3[%swap3A_277, %swap3A_278, %swap3A_279] : memref<4x4096x128xf32, #tpu.memory_space<vmem>>, vector<1x128x128xf32>
    %swap3A_281 = vector.shape_cast %swap3A_280 : vector<1x128x128xf32> to vector<128x128xf32>
    %swap3A_282 = vector.shape_cast %dot_general3A_276 : vector<128x128xf32> to vector<1x128x128xf32>
    tpu.vector_store %arg3[%swap3A_277, %swap3A_278, %swap3A_279], %swap3A_282 {strides = array<i32>} : memref<4x4096x128xf32, #tpu.memory_space<vmem>>, vector<1x128x128xf32>,
    %slice3A_283 = vector.extract_strided_slice %get3A_6 {offsets = [62, 0], sizes = [2, 128], strides = [1, 1]} : vector<64x128xf32> to vector<2x128xf32>
    %dot_general3A_284 = arith.constant dense<0.000000e+00> : vector<128x128xf32>
    %dot_general3A_285 = tpu.matmul %slice3A_283, %get3A_1, %dot_general3A_284 {dimension_numbers = #tpu.dot_dimension_numbers<[0], [0], [1], [1], [0, 1, 1, 1], [], []>, transpose_lhs_hint = false} : vector<2x128xf32>, vector<2x128xf32>, vector<128x128xf32> -> vector<128x128xf32>
    %swap3A_286 = arith.constant 0 : index
    %swap3A_287 = arith.constant 3968 : index
    %swap3A_288 = arith.constant 0 : index
    %swap3A_289 = vector.load %arg3[%swap3A_286, %swap3A_287, %swap3A_288] : memref<4x4096x128xf32, #tpu.memory_space<vmem>>, vector<1x128x128xf32>
    %swap3A_290 = vector.shape_cast %swap3A_289 : vector<1x128x128xf32> to vector<128x128xf32>
    %swap3A_291 = vector.shape_cast %dot_general3A_285 : vector<128x128xf32> to vector<1x128x128xf32>
    tpu.vector_store %arg3[%swap3A_286, %swap3A_287, %swap3A_288], %swap3A_291 {strides = array<i32>} : memref<4x4096x128xf32, #tpu.memory_space<vmem>>, vector<1x128x128xf32>,
    %get3A_292 = arith.constant 1 : index
    %get3A_293 = arith.constant 0 : index
    %get3A_294 = arith.constant 0 : index
    %get3A_295 = vector.load %arg1[%get3A_292, %get3A_293, %get3A_294] : memref<4x64x128xf32, #tpu.memory_space<vmem>>, vector<1x64x128xf32>
    %get3A_296 = vector.shape_cast %get3A_295 : vector<1x64x128xf32> to vector<64x128xf32>
    %slice3A_297 = vector.extract_strided_slice %get3A_296 {offsets = [0, 0], sizes = [2, 128], strides = [1, 1]} : vector<64x128xf32> to vector<2x128xf32>
    %dot_general3A_298 = arith.constant dense<0.000000e+00> : vector<128x128xf32>
    %dot_general3A_299 = tpu.matmul %slice3A_297, %get3A_1, %dot_general3A_298 {dimension_numbers = #tpu.dot_dimension_numbers<[0], [0], [1], [1], [0, 1, 1, 1], [], []>, transpose_lhs_hint = false} : vector<2x128xf32>, vector<2x128xf32>, vector<128x128xf32> -> vector<128x128xf32>
    %swap3A_300 = arith.constant 1 : index
    %swap3A_301 = arith.constant 0 : index
    %swap3A_302 = arith.constant 0 : index
    %swap3A_303 = vector.load %arg3[%swap3A_300, %swap3A_301, %swap3A_302] : memref<4x4096x128xf32, #tpu.memory_space<vmem>>, vector<1x128x128xf32>
    %swap3A_304 = vector.shape_cast %swap3A_303 : vector<1x128x128xf32> to vector<128x128xf32>
    %swap3A_305 = vector.shape_cast %dot_general3A_299 : vector<128x128xf32> to vector<1x128x128xf32>
    tpu.vector_store %arg3[%swap3A_300, %swap3A_301, %swap3A_302], %swap3A_305 {strides = array<i32>} : memref<4x4096x128xf32, #tpu.memory_space<vmem>>, vector<1x128x128xf32>,
    %slice3A_306 = vector.extract_strided_slice %get3A_296 {offsets = [2, 0], sizes = [2, 128], strides = [1, 1]} : vector<64x128xf32> to vector<2x128xf32>
    %dot_general3A_307 = arith.constant dense<0.000000e+00> : vector<128x128xf32>
    %dot_general3A_308 = tpu.matmul %slice3A_306, %get3A_1, %dot_general3A_307 {dimension_numbers = #tpu.dot_dimension_numbers<[0], [0], [1], [1], [0, 1, 1, 1], [], []>, transpose_lhs_hint = false} : vector<2x128xf32>, vector<2x128xf32>, vector<128x128xf32> -> vector<128x128xf32>
    %swap3A_309 = arith.constant 1 : index
    %swap3A_310 = arith.constant 128 : index
    %swap3A_311 = arith.constant 0 : index
    %swap3A_312 = vector.load %arg3[%swap3A_309, %swap3A_310, %swap3A_311] : memref<4x4096x128xf32, #tpu.memory_space<vmem>>, vector<1x128x128xf32>
    %swap3A_313 = vector.shape_cast %swap3A_312 : vector<1x128x128xf32> to vector<128x128xf32>
    %swap3A_314 = vector.shape_cast %dot_general3A_308 : vector<128x128xf32> to vector<1x128x128xf32>
    tpu.vector_store %arg3[%swap3A_309, %swap3A_310, %swap3A_311], %swap3A_314 {strides = array<i32>} : memref<4x4096x128xf32, #tpu.memory_space<vmem>>, vector<1x128x128xf32>,
    %slice3A_315 = vector.extract_strided_slice %get3A_296 {offsets = [4, 0], sizes = [2, 128], strides = [1, 1]} : vector<64x128xf32> to vector<2x128xf32>
    %dot_general3A_316 = arith.constant dense<0.000000e+00> : vector<128x128xf32>
    %dot_general3A_317 = tpu.matmul %slice3A_315, %get3A_1, %dot_general3A_316 {dimension_numbers = #tpu.dot_dimension_numbers<[0], [0], [1], [1], [0, 1, 1, 1], [], []>, transpose_lhs_hint = false} : vector<2x128xf32>, vector<2x128xf32>, vector<128x128xf32> -> vector<128x128xf32>
    %swap3A_318 = arith.constant 1 : index
    %swap3A_319 = arith.constant 256 : index
    %swap3A_320 = arith.constant 0 : index
    %swap3A_321 = vector.load %arg3[%swap3A_318, %swap3A_319, %swap3A_320] : memref<4x4096x128xf32, #tpu.memory_space<vmem>>, vector<1x128x128xf32>
    %swap3A_322 = vector.shape_cast %swap3A_321 : vector<1x128x128xf32> to vector<128x128xf32>
    %swap3A_323 = vector.shape_cast %dot_general3A_317 : vector<128x128xf32> to vector<1x128x128xf32>
    tpu.vector_store %arg3[%swap3A_318, %swap3A_319, %swap3A_320], %swap3A_323 {strides = array<i32>} : memref<4x4096x128xf32, #tpu.memory_space<vmem>>, vector<1x128x128xf32>,
    %slice3A_324 = vector.extract_strided_slice %get3A_296 {offsets = [6, 0], sizes = [2, 128], strides = [1, 1]} : vector<64x128xf32> to vector<2x128xf32>
    %dot_general3A_325 = arith.constant dense<0.000000e+00> : vector<128x128xf32>
    %dot_general3A_326 = tpu.matmul %slice3A_324, %get3A_1, %dot_general3A_325 {dimension_numbers = #tpu.dot_dimension_numbers<[0], [0], [1], [1], [0, 1, 1, 1], [], []>, transpose_lhs_hint = false} : vector<2x128xf32>, vector<2x128xf32>, vector<128x128xf32> -> vector<128x128xf32>
    %swap3A_327 = arith.constant 1 : index
    %swap3A_328 = arith.constant 384 : index
    %swap3A_329 = arith.constant 0 : index
    %swap3A_330 = vector.load %arg3[%swap3A_327, %swap3A_328, %swap3A_329] : memref<4x4096x128xf32, #tpu.memory_space<vmem>>, vector<1x128x128xf32>
    %swap3A_331 = vector.shape_cast %swap3A_330 : vector<1x128x128xf32> to vector<128x128xf32>
    %swap3A_332 = vector.shape_cast %dot_general3A_326 : vector<128x128xf32> to vector<1x128x128xf32>
    tpu.vector_store %arg3[%swap3A_327, %swap3A_328, %swap3A_329], %swap3A_332 {strides = array<i32>} : memref<4x4096x128xf32, #tpu.memory_space<vmem>>, vector<1x128x128xf32>,
    %slice3A_333 = vector.extract_strided_slice %get3A_296 {offsets = [8, 0], sizes = [2, 128], strides = [1, 1]} : vector<64x128xf32> to vector<2x128xf32>
    %dot_general3A_334 = arith.constant dense<0.000000e+00> : vector<128x128xf32>
    %dot_general3A_335 = tpu.matmul %slice3A_333, %get3A_1, %dot_general3A_334 {dimension_numbers = #tpu.dot_dimension_numbers<[0], [0], [1], [1], [0, 1, 1, 1], [], []>, transpose_lhs_hint = false} : vector<2x128xf32>, vector<2x128xf32>, vector<128x128xf32> -> vector<128x128xf32>
    %swap3A_336 = arith.constant 1 : index
    %swap3A_337 = arith.constant 512 : index
    %swap3A_338 = arith.constant 0 : index
    %swap3A_339 = vector.load %arg3[%swap3A_336, %swap3A_337, %swap3A_338] : memref<4x4096x128xf32, #tpu.memory_space<vmem>>, vector<1x128x128xf32>
    %swap3A_340 = vector.shape_cast %swap3A_339 : vector<1x128x128xf32> to vector<128x128xf32>
    %swap3A_341 = vector.shape_cast %dot_general3A_335 : vector<128x128xf32> to vector<1x128x128xf32>
    tpu.vector_store %arg3[%swap3A_336, %swap3A_337, %swap3A_338], %swap3A_341 {strides = array<i32>} : memref<4x4096x128xf32, #tpu.memory_space<vmem>>, vector<1x128x128xf32>,
    %slice3A_342 = vector.extract_strided_slice %get3A_296 {offsets = [10, 0], sizes = [2, 128], strides = [1, 1]} : vector<64x128xf32> to vector<2x128xf32>
    %dot_general3A_343 = arith.constant dense<0.000000e+00> : vector<128x128xf32>
    %dot_general3A_344 = tpu.matmul %slice3A_342, %get3A_1, %dot_general3A_343 {dimension_numbers = #tpu.dot_dimension_numbers<[0], [0], [1], [1], [0, 1, 1, 1], [], []>, transpose_lhs_hint = false} : vector<2x128xf32>, vector<2x128xf32>, vector<128x128xf32> -> vector<128x128xf32>
    %swap3A_345 = arith.constant 1 : index
    %swap3A_346 = arith.constant 640 : index
    %swap3A_347 = arith.constant 0 : index
    %swap3A_348 = vector.load %arg3[%swap3A_345, %swap3A_346, %swap3A_347] : memref<4x4096x128xf32, #tpu.memory_space<vmem>>, vector<1x128x128xf32>
    %swap3A_349 = vector.shape_cast %swap3A_348 : vector<1x128x128xf32> to vector<128x128xf32>
    %swap3A_350 = vector.shape_cast %dot_general3A_344 : vector<128x128xf32> to vector<1x128x128xf32>
    tpu.vector_store %arg3[%swap3A_345, %swap3A_346, %swap3A_347], %swap3A_350 {strides = array<i32>} : memref<4x4096x128xf32, #tpu.memory_space<vmem>>, vector<1x128x128xf32>,
    %slice3A_351 = vector.extract_strided_slice %get3A_296 {offsets = [12, 0], sizes = [2, 128], strides = [1, 1]} : vector<64x128xf32> to vector<2x128xf32>
    %dot_general3A_352 = arith.constant dense<0.000000e+00> : vector<128x128xf32>
    %dot_general3A_353 = tpu.matmul %slice3A_351, %get3A_1, %dot_general3A_352 {dimension_numbers = #tpu.dot_dimension_numbers<[0], [0], [1], [1], [0, 1, 1, 1], [], []>, transpose_lhs_hint = false} : vector<2x128xf32>, vector<2x128xf32>, vector<128x128xf32> -> vector<128x128xf32>
    %swap3A_354 = arith.constant 1 : index
    %swap3A_355 = arith.constant 768 : index
    %swap3A_356 = arith.constant 0 : index
    %swap3A_357 = vector.load %arg3[%swap3A_354, %swap3A_355, %swap3A_356] : memref<4x4096x128xf32, #tpu.memory_space<vmem>>, vector<1x128x128xf32>
    %swap3A_358 = vector.shape_cast %swap3A_357 : vector<1x128x128xf32> to vector<128x128xf32>
    %swap3A_359 = vector.shape_cast %dot_general3A_353 : vector<128x128xf32> to vector<1x128x128xf32>
    tpu.vector_store %arg3[%swap3A_354, %swap3A_355, %swap3A_356], %swap3A_359 {strides = array<i32>} : memref<4x4096x128xf32, #tpu.memory_space<vmem>>, vector<1x128x128xf32>,
    %slice3A_360 = vector.extract_strided_slice %get3A_296 {offsets = [14, 0], sizes = [2, 128], strides = [1, 1]} : vector<64x128xf32> to vector<2x128xf32>
    %dot_general3A_361 = arith.constant dense<0.000000e+00> : vector<128x128xf32>
    %dot_general3A_362 = tpu.matmul %slice3A_360, %get3A_1, %dot_general3A_361 {dimension_numbers = #tpu.dot_dimension_numbers<[0], [0], [1], [1], [0, 1, 1, 1], [], []>, transpose_lhs_hint = false} : vector<2x128xf32>, vector<2x128xf32>, vector<128x128xf32> -> vector<128x128xf32>
    %swap3A_363 = arith.constant 1 : index
    %swap3A_364 = arith.constant 896 : index
    %swap3A_365 = arith.constant 0 : index
    %swap3A_366 = vector.load %arg3[%swap3A_363, %swap3A_364, %swap3A_365] : memref<4x4096x128xf32, #tpu.memory_space<vmem>>, vector<1x128x128xf32>
    %swap3A_367 = vector.shape_cast %swap3A_366 : vector<1x128x128xf32> to vector<128x128xf32>
    %swap3A_368 = vector.shape_cast %dot_general3A_362 : vector<128x128xf32> to vector<1x128x128xf32>
    tpu.vector_store %arg3[%swap3A_363, %swap3A_364, %swap3A_365], %swap3A_368 {strides = array<i32>} : memref<4x4096x128xf32, #tpu.memory_space<vmem>>, vector<1x128x128xf32>,
    %slice3A_369 = vector.extract_strided_slice %get3A_296 {offsets = [16, 0], sizes = [2, 128], strides = [1, 1]} : vector<64x128xf32> to vector<2x128xf32>
    %dot_general3A_370 = arith.constant dense<0.000000e+00> : vector<128x128xf32>
    %dot_general3A_371 = tpu.matmul %slice3A_369, %get3A_1, %dot_general3A_370 {dimension_numbers = #tpu.dot_dimension_numbers<[0], [0], [1], [1], [0, 1, 1, 1], [], []>, transpose_lhs_hint = false} : vector<2x128xf32>, vector<2x128xf32>, vector<128x128xf32> -> vector<128x128xf32>
    %swap3A_372 = arith.constant 1 : index
    %swap3A_373 = arith.constant 1024 : index
    %swap3A_374 = arith.constant 0 : index
    %swap3A_375 = vector.load %arg3[%swap3A_372, %swap3A_373, %swap3A_374] : memref<4x4096x128xf32, #tpu.memory_space<vmem>>, vector<1x128x128xf32>
    %swap3A_376 = vector.shape_cast %swap3A_375 : vector<1x128x128xf32> to vector<128x128xf32>
    %swap3A_377 = vector.shape_cast %dot_general3A_371 : vector<128x128xf32> to vector<1x128x128xf32>
    tpu.vector_store %arg3[%swap3A_372, %swap3A_373, %swap3A_374], %swap3A_377 {strides = array<i32>} : memref<4x4096x128xf32, #tpu.memory_space<vmem>>, vector<1x128x128xf32>,
    %slice3A_378 = vector.extract_strided_slice %get3A_296 {offsets = [18, 0], sizes = [2, 128], strides = [1, 1]} : vector<64x128xf32> to vector<2x128xf32>
    %dot_general3A_379 = arith.constant dense<0.000000e+00> : vector<128x128xf32>
    %dot_general3A_380 = tpu.matmul %slice3A_378, %get3A_1, %dot_general3A_379 {dimension_numbers = #tpu.dot_dimension_numbers<[0], [0], [1], [1], [0, 1, 1, 1], [], []>, transpose_lhs_hint = false} : vector<2x128xf32>, vector<2x128xf32>, vector<128x128xf32> -> vector<128x128xf32>
    %swap3A_381 = arith.constant 1 : index
    %swap3A_382 = arith.constant 1152 : index
    %swap3A_383 = arith.constant 0 : index
    %swap3A_384 = vector.load %arg3[%swap3A_381, %swap3A_382, %swap3A_383] : memref<4x4096x128xf32, #tpu.memory_space<vmem>>, vector<1x128x128xf32>
    %swap3A_385 = vector.shape_cast %swap3A_384 : vector<1x128x128xf32> to vector<128x128xf32>
    %swap3A_386 = vector.shape_cast %dot_general3A_380 : vector<128x128xf32> to vector<1x128x128xf32>
    tpu.vector_store %arg3[%swap3A_381, %swap3A_382, %swap3A_383], %swap3A_386 {strides = array<i32>} : memref<4x4096x128xf32, #tpu.memory_space<vmem>>, vector<1x128x128xf32>,
    %slice3A_387 = vector.extract_strided_slice %get3A_296 {offsets = [20, 0], sizes = [2, 128], strides = [1, 1]} : vector<64x128xf32> to vector<2x128xf32>
    %dot_general3A_388 = arith.constant dense<0.000000e+00> : vector<128x128xf32>
    %dot_general3A_389 = tpu.matmul %slice3A_387, %get3A_1, %dot_general3A_388 {dimension_numbers = #tpu.dot_dimension_numbers<[0], [0], [1], [1], [0, 1, 1, 1], [], []>, transpose_lhs_hint = false} : vector<2x128xf32>, vector<2x128xf32>, vector<128x128xf32> -> vector<128x128xf32>
    %swap3A_390 = arith.constant 1 : index
    %swap3A_391 = arith.constant 1280 : index
    %swap3A_392 = arith.constant 0 : index
    %swap3A_393 = vector.load %arg3[%swap3A_390, %swap3A_391, %swap3A_392] : memref<4x4096x128xf32, #tpu.memory_space<vmem>>, vector<1x128x128xf32>
    %swap3A_394 = vector.shape_cast %swap3A_393 : vector<1x128x128xf32> to vector<128x128xf32>
    %swap3A_395 = vector.shape_cast %dot_general3A_389 : vector<128x128xf32> to vector<1x128x128xf32>
    tpu.vector_store %arg3[%swap3A_390, %swap3A_391, %swap3A_392], %swap3A_395 {strides = array<i32>} : memref<4x4096x128xf32, #tpu.memory_space<vmem>>, vector<1x128x128xf32>,
    %slice3A_396 = vector.extract_strided_slice %get3A_296 {offsets = [22, 0], sizes = [2, 128], strides = [1, 1]} : vector<64x128xf32> to vector<2x128xf32>
    %dot_general3A_397 = arith.constant dense<0.000000e+00> : vector<128x128xf32>
    %dot_general3A_398 = tpu.matmul %slice3A_396, %get3A_1, %dot_general3A_397 {dimension_numbers = #tpu.dot_dimension_numbers<[0], [0], [1], [1], [0, 1, 1, 1], [], []>, transpose_lhs_hint = false} : vector<2x128xf32>, vector<2x128xf32>, vector<128x128xf32> -> vector<128x128xf32>
    %swap3A_399 = arith.constant 1 : index
    %swap3A_400 = arith.constant 1408 : index
    %swap3A_401 = arith.constant 0 : index
    %swap3A_402 = vector.load %arg3[%swap3A_399, %swap3A_400, %swap3A_401] : memref<4x4096x128xf32, #tpu.memory_space<vmem>>, vector<1x128x128xf32>
    %swap3A_403 = vector.shape_cast %swap3A_402 : vector<1x128x128xf32> to vector<128x128xf32>
    %swap3A_404 = vector.shape_cast %dot_general3A_398 : vector<128x128xf32> to vector<1x128x128xf32>
    tpu.vector_store %arg3[%swap3A_399, %swap3A_400, %swap3A_401], %swap3A_404 {strides = array<i32>} : memref<4x4096x128xf32, #tpu.memory_space<vmem>>, vector<1x128x128xf32>,
    %slice3A_405 = vector.extract_strided_slice %get3A_296 {offsets = [24, 0], sizes = [2, 128], strides = [1, 1]} : vector<64x128xf32> to vector<2x128xf32>
    %dot_general3A_406 = arith.constant dense<0.000000e+00> : vector<128x128xf32>
    %dot_general3A_407 = tpu.matmul %slice3A_405, %get3A_1, %dot_general3A_406 {dimension_numbers = #tpu.dot_dimension_numbers<[0], [0], [1], [1], [0, 1, 1, 1], [], []>, transpose_lhs_hint = false} : vector<2x128xf32>, vector<2x128xf32>, vector<128x128xf32> -> vector<128x128xf32>
    %swap3A_408 = arith.constant 1 : index
    %swap3A_409 = arith.constant 1536 : index
    %swap3A_410 = arith.constant 0 : index
    %swap3A_411 = vector.load %arg3[%swap3A_408, %swap3A_409, %swap3A_410] : memref<4x4096x128xf32, #tpu.memory_space<vmem>>, vector<1x128x128xf32>
    %swap3A_412 = vector.shape_cast %swap3A_411 : vector<1x128x128xf32> to vector<128x128xf32>
    %swap3A_413 = vector.shape_cast %dot_general3A_407 : vector<128x128xf32> to vector<1x128x128xf32>
    tpu.vector_store %arg3[%swap3A_408, %swap3A_409, %swap3A_410], %swap3A_413 {strides = array<i32>} : memref<4x4096x128xf32, #tpu.memory_space<vmem>>, vector<1x128x128xf32>,
    %slice3A_414 = vector.extract_strided_slice %get3A_296 {offsets = [26, 0], sizes = [2, 128], strides = [1, 1]} : vector<64x128xf32> to vector<2x128xf32>
    %dot_general3A_415 = arith.constant dense<0.000000e+00> : vector<128x128xf32>
    %dot_general3A_416 = tpu.matmul %slice3A_414, %get3A_1, %dot_general3A_415 {dimension_numbers = #tpu.dot_dimension_numbers<[0], [0], [1], [1], [0, 1, 1, 1], [], []>, transpose_lhs_hint = false} : vector<2x128xf32>, vector<2x128xf32>, vector<128x128xf32> -> vector<128x128xf32>
    %swap3A_417 = arith.constant 1 : index
    %swap3A_418 = arith.constant 1664 : index
    %swap3A_419 = arith.constant 0 : index
    %swap3A_420 = vector.load %arg3[%swap3A_417, %swap3A_418, %swap3A_419] : memref<4x4096x128xf32, #tpu.memory_space<vmem>>, vector<1x128x128xf32>
    %swap3A_421 = vector.shape_cast %swap3A_420 : vector<1x128x128xf32> to vector<128x128xf32>
    %swap3A_422 = vector.shape_cast %dot_general3A_416 : vector<128x128xf32> to vector<1x128x128xf32>
    tpu.vector_store %arg3[%swap3A_417, %swap3A_418, %swap3A_419], %swap3A_422 {strides = array<i32>} : memref<4x4096x128xf32, #tpu.memory_space<vmem>>, vector<1x128x128xf32>,
    %slice3A_423 = vector.extract_strided_slice %get3A_296 {offsets = [28, 0], sizes = [2, 128], strides = [1, 1]} : vector<64x128xf32> to vector<2x128xf32>
    %dot_general3A_424 = arith.constant dense<0.000000e+00> : vector<128x128xf32>
    %dot_general3A_425 = tpu.matmul %slice3A_423, %get3A_1, %dot_general3A_424 {dimension_numbers = #tpu.dot_dimension_numbers<[0], [0], [1], [1], [0, 1, 1, 1], [], []>, transpose_lhs_hint = false} : vector<2x128xf32>, vector<2x128xf32>, vector<128x128xf32> -> vector<128x128xf32>
    %swap3A_426 = arith.constant 1 : index
    %swap3A_427 = arith.constant 1792 : index
    %swap3A_428 = arith.constant 0 : index
    %swap3A_429 = vector.load %arg3[%swap3A_426, %swap3A_427, %swap3A_428] : memref<4x4096x128xf32, #tpu.memory_space<vmem>>, vector<1x128x128xf32>
    %swap3A_430 = vector.shape_cast %swap3A_429 : vector<1x128x128xf32> to vector<128x128xf32>
    %swap3A_431 = vector.shape_cast %dot_general3A_425 : vector<128x128xf32> to vector<1x128x128xf32>
    tpu.vector_store %arg3[%swap3A_426, %swap3A_427, %swap3A_428], %swap3A_431 {strides = array<i32>} : memref<4x4096x128xf32, #tpu.memory_space<vmem>>, vector<1x128x128xf32>,
    %slice3A_432 = vector.extract_strided_slice %get3A_296 {offsets = [30, 0], sizes = [2, 128], strides = [1, 1]} : vector<64x128xf32> to vector<2x128xf32>
    %dot_general3A_433 = arith.constant dense<0.000000e+00> : vector<128x128xf32>
    %dot_general3A_434 = tpu.matmul %slice3A_432, %get3A_1, %dot_general3A_433 {dimension_numbers = #tpu.dot_dimension_numbers<[0], [0], [1], [1], [0, 1, 1, 1], [], []>, transpose_lhs_hint = false} : vector<2x128xf32>, vector<2x128xf32>, vector<128x128xf32> -> vector<128x128xf32>
    %swap3A_435 = arith.constant 1 : index
    %swap3A_436 = arith.constant 1920 : index
    %swap3A_437 = arith.constant 0 : index
    %swap3A_438 = vector.load %arg3[%swap3A_435, %swap3A_436, %swap3A_437] : memref<4x4096x128xf32, #tpu.memory_space<vmem>>, vector<1x128x128xf32>
    %swap3A_439 = vector.shape_cast %swap3A_438 : vector<1x128x128xf32> to vector<128x128xf32>
    %swap3A_440 = vector.shape_cast %dot_general3A_434 : vector<128x128xf32> to vector<1x128x128xf32>
    tpu.vector_store %arg3[%swap3A_435, %swap3A_436, %swap3A_437], %swap3A_440 {strides = array<i32>} : memref<4x4096x128xf32, #tpu.memory_space<vmem>>, vector<1x128x128xf32>,
    %slice3A_441 = vector.extract_strided_slice %get3A_296 {offsets = [32, 0], sizes = [2, 128], strides = [1, 1]} : vector<64x128xf32> to vector<2x128xf32>
    %dot_general3A_442 = arith.constant dense<0.000000e+00> : vector<128x128xf32>
    %dot_general3A_443 = tpu.matmul %slice3A_441, %get3A_1, %dot_general3A_442 {dimension_numbers = #tpu.dot_dimension_numbers<[0], [0], [1], [1], [0, 1, 1, 1], [], []>, transpose_lhs_hint = false} : vector<2x128xf32>, vector<2x128xf32>, vector<128x128xf32> -> vector<128x128xf32>
    %swap3A_444 = arith.constant 1 : index
    %swap3A_445 = arith.constant 2048 : index
    %swap3A_446 = arith.constant 0 : index
    %swap3A_447 = vector.load %arg3[%swap3A_444, %swap3A_445, %swap3A_446] : memref<4x4096x128xf32, #tpu.memory_space<vmem>>, vector<1x128x128xf32>
    %swap3A_448 = vector.shape_cast %swap3A_447 : vector<1x128x128xf32> to vector<128x128xf32>
    %swap3A_449 = vector.shape_cast %dot_general3A_443 : vector<128x128xf32> to vector<1x128x128xf32>
    tpu.vector_store %arg3[%swap3A_444, %swap3A_445, %swap3A_446], %swap3A_449 {strides = array<i32>} : memref<4x4096x128xf32, #tpu.memory_space<vmem>>, vector<1x128x128xf32>,
    %slice3A_450 = vector.extract_strided_slice %get3A_296 {offsets = [34, 0], sizes = [2, 128], strides = [1, 1]} : vector<64x128xf32> to vector<2x128xf32>
    %dot_general3A_451 = arith.constant dense<0.000000e+00> : vector<128x128xf32>
    %dot_general3A_452 = tpu.matmul %slice3A_450, %get3A_1, %dot_general3A_451 {dimension_numbers = #tpu.dot_dimension_numbers<[0], [0], [1], [1], [0, 1, 1, 1], [], []>, transpose_lhs_hint = false} : vector<2x128xf32>, vector<2x128xf32>, vector<128x128xf32> -> vector<128x128xf32>
    %swap3A_453 = arith.constant 1 : index
    %swap3A_454 = arith.constant 2176 : index
    %swap3A_455 = arith.constant 0 : index
    %swap3A_456 = vector.load %arg3[%swap3A_453, %swap3A_454, %swap3A_455] : memref<4x4096x128xf32, #tpu.memory_space<vmem>>, vector<1x128x128xf32>
    %swap3A_457 = vector.shape_cast %swap3A_456 : vector<1x128x128xf32> to vector<128x128xf32>
    %swap3A_458 = vector.shape_cast %dot_general3A_452 : vector<128x128xf32> to vector<1x128x128xf32>
    tpu.vector_store %arg3[%swap3A_453, %swap3A_454, %swap3A_455], %swap3A_458 {strides = array<i32>} : memref<4x4096x128xf32, #tpu.memory_space<vmem>>, vector<1x128x128xf32>,
    %slice3A_459 = vector.extract_strided_slice %get3A_296 {offsets = [36, 0], sizes = [2, 128], strides = [1, 1]} : vector<64x128xf32> to vector<2x128xf32>
    %dot_general3A_460 = arith.constant dense<0.000000e+00> : vector<128x128xf32>
    %dot_general3A_461 = tpu.matmul %slice3A_459, %get3A_1, %dot_general3A_460 {dimension_numbers = #tpu.dot_dimension_numbers<[0], [0], [1], [1], [0, 1, 1, 1], [], []>, transpose_lhs_hint = false} : vector<2x128xf32>, vector<2x128xf32>, vector<128x128xf32> -> vector<128x128xf32>
    %swap3A_462 = arith.constant 1 : index
    %swap3A_463 = arith.constant 2304 : index
    %swap3A_464 = arith.constant 0 : index
    %swap3A_465 = vector.load %arg3[%swap3A_462, %swap3A_463, %swap3A_464] : memref<4x4096x128xf32, #tpu.memory_space<vmem>>, vector<1x128x128xf32>
    %swap3A_466 = vector.shape_cast %swap3A_465 : vector<1x128x128xf32> to vector<128x128xf32>
    %swap3A_467 = vector.shape_cast %dot_general3A_461 : vector<128x128xf32> to vector<1x128x128xf32>
    tpu.vector_store %arg3[%swap3A_462, %swap3A_463, %swap3A_464], %swap3A_467 {strides = array<i32>} : memref<4x4096x128xf32, #tpu.memory_space<vmem>>, vector<1x128x128xf32>,
    %slice3A_468 = vector.extract_strided_slice %get3A_296 {offsets = [38, 0], sizes = [2, 128], strides = [1, 1]} : vector<64x128xf32> to vector<2x128xf32>
    %dot_general3A_469 = arith.constant dense<0.000000e+00> : vector<128x128xf32>
    %dot_general3A_470 = tpu.matmul %slice3A_468, %get3A_1, %dot_general3A_469 {dimension_numbers = #tpu.dot_dimension_numbers<[0], [0], [1], [1], [0, 1, 1, 1], [], []>, transpose_lhs_hint = false} : vector<2x128xf32>, vector<2x128xf32>, vector<128x128xf32> -> vector<128x128xf32>
    %swap3A_471 = arith.constant 1 : index
    %swap3A_472 = arith.constant 2432 : index
    %swap3A_473 = arith.constant 0 : index
    %swap3A_474 = vector.load %arg3[%swap3A_471, %swap3A_472, %swap3A_473] : memref<4x4096x128xf32, #tpu.memory_space<vmem>>, vector<1x128x128xf32>
    %swap3A_475 = vector.shape_cast %swap3A_474 : vector<1x128x128xf32> to vector<128x128xf32>
    %swap3A_476 = vector.shape_cast %dot_general3A_470 : vector<128x128xf32> to vector<1x128x128xf32>
    tpu.vector_store %arg3[%swap3A_471, %swap3A_472, %swap3A_473], %swap3A_476 {strides = array<i32>} : memref<4x4096x128xf32, #tpu.memory_space<vmem>>, vector<1x128x128xf32>,
    %slice3A_477 = vector.extract_strided_slice %get3A_296 {offsets = [40, 0], sizes = [2, 128], strides = [1, 1]} : vector<64x128xf32> to vector<2x128xf32>
    %dot_general3A_478 = arith.constant dense<0.000000e+00> : vector<128x128xf32>
    %dot_general3A_479 = tpu.matmul %slice3A_477, %get3A_1, %dot_general3A_478 {dimension_numbers = #tpu.dot_dimension_numbers<[0], [0], [1], [1], [0, 1, 1, 1], [], []>, transpose_lhs_hint = false} : vector<2x128xf32>, vector<2x128xf32>, vector<128x128xf32> -> vector<128x128xf32>
    %swap3A_480 = arith.constant 1 : index
    %swap3A_481 = arith.constant 2560 : index
    %swap3A_482 = arith.constant 0 : index
    %swap3A_483 = vector.load %arg3[%swap3A_480, %swap3A_481, %swap3A_482] : memref<4x4096x128xf32, #tpu.memory_space<vmem>>, vector<1x128x128xf32>
    %swap3A_484 = vector.shape_cast %swap3A_483 : vector<1x128x128xf32> to vector<128x128xf32>
    %swap3A_485 = vector.shape_cast %dot_general3A_479 : vector<128x128xf32> to vector<1x128x128xf32>
    tpu.vector_store %arg3[%swap3A_480, %swap3A_481, %swap3A_482], %swap3A_485 {strides = array<i32>} : memref<4x4096x128xf32, #tpu.memory_space<vmem>>, vector<1x128x128xf32>,
    %slice3A_486 = vector.extract_strided_slice %get3A_296 {offsets = [42, 0], sizes = [2, 128], strides = [1, 1]} : vector<64x128xf32> to vector<2x128xf32>
    %dot_general3A_487 = arith.constant dense<0.000000e+00> : vector<128x128xf32>
    %dot_general3A_488 = tpu.matmul %slice3A_486, %get3A_1, %dot_general3A_487 {dimension_numbers = #tpu.dot_dimension_numbers<[0], [0], [1], [1], [0, 1, 1, 1], [], []>, transpose_lhs_hint = false} : vector<2x128xf32>, vector<2x128xf32>, vector<128x128xf32> -> vector<128x128xf32>
    %swap3A_489 = arith.constant 1 : index
    %swap3A_490 = arith.constant 2688 : index
    %swap3A_491 = arith.constant 0 : index
    %swap3A_492 = vector.load %arg3[%swap3A_489, %swap3A_490, %swap3A_491] : memref<4x4096x128xf32, #tpu.memory_space<vmem>>, vector<1x128x128xf32>
    %swap3A_493 = vector.shape_cast %swap3A_492 : vector<1x128x128xf32> to vector<128x128xf32>
    %swap3A_494 = vector.shape_cast %dot_general3A_488 : vector<128x128xf32> to vector<1x128x128xf32>
    tpu.vector_store %arg3[%swap3A_489, %swap3A_490, %swap3A_491], %swap3A_494 {strides = array<i32>} : memref<4x4096x128xf32, #tpu.memory_space<vmem>>, vector<1x128x128xf32>,
    %slice3A_495 = vector.extract_strided_slice %get3A_296 {offsets = [44, 0], sizes = [2, 128], strides = [1, 1]} : vector<64x128xf32> to vector<2x128xf32>
    %dot_general3A_496 = arith.constant dense<0.000000e+00> : vector<128x128xf32>
    %dot_general3A_497 = tpu.matmul %slice3A_495, %get3A_1, %dot_general3A_496 {dimension_numbers = #tpu.dot_dimension_numbers<[0], [0], [1], [1], [0, 1, 1, 1], [], []>, transpose_lhs_hint = false} : vector<2x128xf32>, vector<2x128xf32>, vector<128x128xf32> -> vector<128x128xf32>
    %swap3A_498 = arith.constant 1 : index
    %swap3A_499 = arith.constant 2816 : index
    %swap3A_500 = arith.constant 0 : index
    %swap3A_501 = vector.load %arg3[%swap3A_498, %swap3A_499, %swap3A_500] : memref<4x4096x128xf32, #tpu.memory_space<vmem>>, vector<1x128x128xf32>
    %swap3A_502 = vector.shape_cast %swap3A_501 : vector<1x128x128xf32> to vector<128x128xf32>
    %swap3A_503 = vector.shape_cast %dot_general3A_497 : vector<128x128xf32> to vector<1x128x128xf32>
    tpu.vector_store %arg3[%swap3A_498, %swap3A_499, %swap3A_500], %swap3A_503 {strides = array<i32>} : memref<4x4096x128xf32, #tpu.memory_space<vmem>>, vector<1x128x128xf32>,
    %slice3A_504 = vector.extract_strided_slice %get3A_296 {offsets = [46, 0], sizes = [2, 128], strides = [1, 1]} : vector<64x128xf32> to vector<2x128xf32>
    %dot_general3A_505 = arith.constant dense<0.000000e+00> : vector<128x128xf32>
    %dot_general3A_506 = tpu.matmul %slice3A_504, %get3A_1, %dot_general3A_505 {dimension_numbers = #tpu.dot_dimension_numbers<[0], [0], [1], [1], [0, 1, 1, 1], [], []>, transpose_lhs_hint = false} : vector<2x128xf32>, vector<2x128xf32>, vector<128x128xf32> -> vector<128x128xf32>
    %swap3A_507 = arith.constant 1 : index
    %swap3A_508 = arith.constant 2944 : index
    %swap3A_509 = arith.constant 0 : index
    %swap3A_510 = vector.load %arg3[%swap3A_507, %swap3A_508, %swap3A_509] : memref<4x4096x128xf32, #tpu.memory_space<vmem>>, vector<1x128x128xf32>
    %swap3A_511 = vector.shape_cast %swap3A_510 : vector<1x128x128xf32> to vector<128x128xf32>
    %swap3A_512 = vector.shape_cast %dot_general3A_506 : vector<128x128xf32> to vector<1x128x128xf32>
    tpu.vector_store %arg3[%swap3A_507, %swap3A_508, %swap3A_509], %swap3A_512 {strides = array<i32>} : memref<4x4096x128xf32, #tpu.memory_space<vmem>>, vector<1x128x128xf32>,
    %slice3A_513 = vector.extract_strided_slice %get3A_296 {offsets = [48, 0], sizes = [2, 128], strides = [1, 1]} : vector<64x128xf32> to vector<2x128xf32>
    %dot_general3A_514 = arith.constant dense<0.000000e+00> : vector<128x128xf32>
    %dot_general3A_515 = tpu.matmul %slice3A_513, %get3A_1, %dot_general3A_514 {dimension_numbers = #tpu.dot_dimension_numbers<[0], [0], [1], [1], [0, 1, 1, 1], [], []>, transpose_lhs_hint = false} : vector<2x128xf32>, vector<2x128xf32>, vector<128x128xf32> -> vector<128x128xf32>
    %swap3A_516 = arith.constant 1 : index
    %swap3A_517 = arith.constant 3072 : index
    %swap3A_518 = arith.constant 0 : index
    %swap3A_519 = vector.load %arg3[%swap3A_516, %swap3A_517, %swap3A_518] : memref<4x4096x128xf32, #tpu.memory_space<vmem>>, vector<1x128x128xf32>
    %swap3A_520 = vector.shape_cast %swap3A_519 : vector<1x128x128xf32> to vector<128x128xf32>
    %swap3A_521 = vector.shape_cast %dot_general3A_515 : vector<128x128xf32> to vector<1x128x128xf32>
    tpu.vector_store %arg3[%swap3A_516, %swap3A_517, %swap3A_518], %swap3A_521 {strides = array<i32>} : memref<4x4096x128xf32, #tpu.memory_space<vmem>>, vector<1x128x128xf32>,
    %slice3A_522 = vector.extract_strided_slice %get3A_296 {offsets = [50, 0], sizes = [2, 128], strides = [1, 1]} : vector<64x128xf32> to vector<2x128xf32>
    %dot_general3A_523 = arith.constant dense<0.000000e+00> : vector<128x128xf32>
    %dot_general3A_524 = tpu.matmul %slice3A_522, %get3A_1, %dot_general3A_523 {dimension_numbers = #tpu.dot_dimension_numbers<[0], [0], [1], [1], [0, 1, 1, 1], [], []>, transpose_lhs_hint = false} : vector<2x128xf32>, vector<2x128xf32>, vector<128x128xf32> -> vector<128x128xf32>
    %swap3A_525 = arith.constant 1 : index
    %swap3A_526 = arith.constant 3200 : index
    %swap3A_527 = arith.constant 0 : index
    %swap3A_528 = vector.load %arg3[%swap3A_525, %swap3A_526, %swap3A_527] : memref<4x4096x128xf32, #tpu.memory_space<vmem>>, vector<1x128x128xf32>
    %swap3A_529 = vector.shape_cast %swap3A_528 : vector<1x128x128xf32> to vector<128x128xf32>
    %swap3A_530 = vector.shape_cast %dot_general3A_524 : vector<128x128xf32> to vector<1x128x128xf32>
    tpu.vector_store %arg3[%swap3A_525, %swap3A_526, %swap3A_527], %swap3A_530 {strides = array<i32>} : memref<4x4096x128xf32, #tpu.memory_space<vmem>>, vector<1x128x128xf32>,
    %slice3A_531 = vector.extract_strided_slice %get3A_296 {offsets = [52, 0], sizes = [2, 128], strides = [1, 1]} : vector<64x128xf32> to vector<2x128xf32>
    %dot_general3A_532 = arith.constant dense<0.000000e+00> : vector<128x128xf32>
    %dot_general3A_533 = tpu.matmul %slice3A_531, %get3A_1, %dot_general3A_532 {dimension_numbers = #tpu.dot_dimension_numbers<[0], [0], [1], [1], [0, 1, 1, 1], [], []>, transpose_lhs_hint = false} : vector<2x128xf32>, vector<2x128xf32>, vector<128x128xf32> -> vector<128x128xf32>
    %swap3A_534 = arith.constant 1 : index
    %swap3A_535 = arith.constant 3328 : index
    %swap3A_536 = arith.constant 0 : index
    %swap3A_537 = vector.load %arg3[%swap3A_534, %swap3A_535, %swap3A_536] : memref<4x4096x128xf32, #tpu.memory_space<vmem>>, vector<1x128x128xf32>
    %swap3A_538 = vector.shape_cast %swap3A_537 : vector<1x128x128xf32> to vector<128x128xf32>
    %swap3A_539 = vector.shape_cast %dot_general3A_533 : vector<128x128xf32> to vector<1x128x128xf32>
    tpu.vector_store %arg3[%swap3A_534, %swap3A_535, %swap3A_536], %swap3A_539 {strides = array<i32>} : memref<4x4096x128xf32, #tpu.memory_space<vmem>>, vector<1x128x128xf32>,
    %slice3A_540 = vector.extract_strided_slice %get3A_296 {offsets = [54, 0], sizes = [2, 128], strides = [1, 1]} : vector<64x128xf32> to vector<2x128xf32>
    %dot_general3A_541 = arith.constant dense<0.000000e+00> : vector<128x128xf32>
    %dot_general3A_542 = tpu.matmul %slice3A_540, %get3A_1, %dot_general3A_541 {dimension_numbers = #tpu.dot_dimension_numbers<[0], [0], [1], [1], [0, 1, 1, 1], [], []>, transpose_lhs_hint = false} : vector<2x128xf32>, vector<2x128xf32>, vector<128x128xf32> -> vector<128x128xf32>
    %swap3A_543 = arith.constant 1 : index
    %swap3A_544 = arith.constant 3456 : index
    %swap3A_545 = arith.constant 0 : index
    %swap3A_546 = vector.load %arg3[%swap3A_543, %swap3A_544, %swap3A_545] : memref<4x4096x128xf32, #tpu.memory_space<vmem>>, vector<1x128x128xf32>
    %swap3A_547 = vector.shape_cast %swap3A_546 : vector<1x128x128xf32> to vector<128x128xf32>
    %swap3A_548 = vector.shape_cast %dot_general3A_542 : vector<128x128xf32> to vector<1x128x128xf32>
    tpu.vector_store %arg3[%swap3A_543, %swap3A_544, %swap3A_545], %swap3A_548 {strides = array<i32>} : memref<4x4096x128xf32, #tpu.memory_space<vmem>>, vector<1x128x128xf32>,
    %slice3A_549 = vector.extract_strided_slice %get3A_296 {offsets = [56, 0], sizes = [2, 128], strides = [1, 1]} : vector<64x128xf32> to vector<2x128xf32>
    %dot_general3A_550 = arith.constant dense<0.000000e+00> : vector<128x128xf32>
    %dot_general3A_551 = tpu.matmul %slice3A_549, %get3A_1, %dot_general3A_550 {dimension_numbers = #tpu.dot_dimension_numbers<[0], [0], [1], [1], [0, 1, 1, 1], [], []>, transpose_lhs_hint = false} : vector<2x128xf32>, vector<2x128xf32>, vector<128x128xf32> -> vector<128x128xf32>
    %swap3A_552 = arith.constant 1 : index
    %swap3A_553 = arith.constant 3584 : index
    %swap3A_554 = arith.constant 0 : index
    %swap3A_555 = vector.load %arg3[%swap3A_552, %swap3A_553, %swap3A_554] : memref<4x4096x128xf32, #tpu.memory_space<vmem>>, vector<1x128x128xf32>
    %swap3A_556 = vector.shape_cast %swap3A_555 : vector<1x128x128xf32> to vector<128x128xf32>
    %swap3A_557 = vector.shape_cast %dot_general3A_551 : vector<128x128xf32> to vector<1x128x128xf32>
    tpu.vector_store %arg3[%swap3A_552, %swap3A_553, %swap3A_554], %swap3A_557 {strides = array<i32>} : memref<4x4096x128xf32, #tpu.memory_space<vmem>>, vector<1x128x128xf32>,
    %slice3A_558 = vector.extract_strided_slice %get3A_296 {offsets = [58, 0], sizes = [2, 128], strides = [1, 1]} : vector<64x128xf32> to vector<2x128xf32>
    %dot_general3A_559 = arith.constant dense<0.000000e+00> : vector<128x128xf32>
    %dot_general3A_560 = tpu.matmul %slice3A_558, %get3A_1, %dot_general3A_559 {dimension_numbers = #tpu.dot_dimension_numbers<[0], [0], [1], [1], [0, 1, 1, 1], [], []>, transpose_lhs_hint = false} : vector<2x128xf32>, vector<2x128xf32>, vector<128x128xf32> -> vector<128x128xf32>
    %swap3A_561 = arith.constant 1 : index
    %swap3A_562 = arith.constant 3712 : index
    %swap3A_563 = arith.constant 0 : index
    %swap3A_564 = vector.load %arg3[%swap3A_561, %swap3A_562, %swap3A_563] : memref<4x4096x128xf32, #tpu.memory_space<vmem>>, vector<1x128x128xf32>
    %swap3A_565 = vector.shape_cast %swap3A_564 : vector<1x128x128xf32> to vector<128x128xf32>
    %swap3A_566 = vector.shape_cast %dot_general3A_560 : vector<128x128xf32> to vector<1x128x128xf32>
    tpu.vector_store %arg3[%swap3A_561, %swap3A_562, %swap3A_563], %swap3A_566 {strides = array<i32>} : memref<4x4096x128xf32, #tpu.memory_space<vmem>>, vector<1x128x128xf32>,
    %slice3A_567 = vector.extract_strided_slice %get3A_296 {offsets = [60, 0], sizes = [2, 128], strides = [1, 1]} : vector<64x128xf32> to vector<2x128xf32>
    %dot_general3A_568 = arith.constant dense<0.000000e+00> : vector<128x128xf32>
    %dot_general3A_569 = tpu.matmul %slice3A_567, %get3A_1, %dot_general3A_568 {dimension_numbers = #tpu.dot_dimension_numbers<[0], [0], [1], [1], [0, 1, 1, 1], [], []>, transpose_lhs_hint = false} : vector<2x128xf32>, vector<2x128xf32>, vector<128x128xf32> -> vector<128x128xf32>
    %swap3A_570 = arith.constant 1 : index
    %swap3A_571 = arith.constant 3840 : index
    %swap3A_572 = arith.constant 0 : index
    %swap3A_573 = vector.load %arg3[%swap3A_570, %swap3A_571, %swap3A_572] : memref<4x4096x128xf32, #tpu.memory_space<vmem>>, vector<1x128x128xf32>
    %swap3A_574 = vector.shape_cast %swap3A_573 : vector<1x128x128xf32> to vector<128x128xf32>
    %swap3A_575 = vector.shape_cast %dot_general3A_569 : vector<128x128xf32> to vector<1x128x128xf32>
    tpu.vector_store %arg3[%swap3A_570, %swap3A_571, %swap3A_572], %swap3A_575 {strides = array<i32>} : memref<4x4096x128xf32, #tpu.memory_space<vmem>>, vector<1x128x128xf32>,
    %slice3A_576 = vector.extract_strided_slice %get3A_296 {offsets = [62, 0], sizes = [2, 128], strides = [1, 1]} : vector<64x128xf32> to vector<2x128xf32>
    %dot_general3A_577 = arith.constant dense<0.000000e+00> : vector<128x128xf32>
    %dot_general3A_578 = tpu.matmul %slice3A_576, %get3A_1, %dot_general3A_577 {dimension_numbers = #tpu.dot_dimension_numbers<[0], [0], [1], [1], [0, 1, 1, 1], [], []>, transpose_lhs_hint = false} : vector<2x128xf32>, vector<2x128xf32>, vector<128x128xf32> -> vector<128x128xf32>
    %swap3A_579 = arith.constant 1 : index
    %swap3A_580 = arith.constant 3968 : index
    %swap3A_581 = arith.constant 0 : index
    %swap3A_582 = vector.load %arg3[%swap3A_579, %swap3A_580, %swap3A_581] : memref<4x4096x128xf32, #tpu.memory_space<vmem>>, vector<1x128x128xf32>
    %swap3A_583 = vector.shape_cast %swap3A_582 : vector<1x128x128xf32> to vector<128x128xf32>
    %swap3A_584 = vector.shape_cast %dot_general3A_578 : vector<128x128xf32> to vector<1x128x128xf32>
    tpu.vector_store %arg3[%swap3A_579, %swap3A_580, %swap3A_581], %swap3A_584 {strides = array<i32>} : memref<4x4096x128xf32, #tpu.memory_space<vmem>>, vector<1x128x128xf32>,
    %get3A_585 = arith.constant 2 : index
    %get3A_586 = arith.constant 0 : index
    %get3A_587 = arith.constant 0 : index
    %get3A_588 = vector.load %arg1[%get3A_585, %get3A_586, %get3A_587] : memref<4x64x128xf32, #tpu.memory_space<vmem>>, vector<1x64x128xf32>
    %get3A_589 = vector.shape_cast %get3A_588 : vector<1x64x128xf32> to vector<64x128xf32>
    %slice3A_590 = vector.extract_strided_slice %get3A_589 {offsets = [0, 0], sizes = [2, 128], strides = [1, 1]} : vector<64x128xf32> to vector<2x128xf32>
    %dot_general3A_591 = arith.constant dense<0.000000e+00> : vector<128x128xf32>
    %dot_general3A_592 = tpu.matmul %slice3A_590, %get3A_1, %dot_general3A_591 {dimension_numbers = #tpu.dot_dimension_numbers<[0], [0], [1], [1], [0, 1, 1, 1], [], []>, transpose_lhs_hint = false} : vector<2x128xf32>, vector<2x128xf32>, vector<128x128xf32> -> vector<128x128xf32>
    %swap3A_593 = arith.constant 2 : index
    %swap3A_594 = arith.constant 0 : index
    %swap3A_595 = arith.constant 0 : index
    %swap3A_596 = vector.load %arg3[%swap3A_593, %swap3A_594, %swap3A_595] : memref<4x4096x128xf32, #tpu.memory_space<vmem>>, vector<1x128x128xf32>
    %swap3A_597 = vector.shape_cast %swap3A_596 : vector<1x128x128xf32> to vector<128x128xf32>
    %swap3A_598 = vector.shape_cast %dot_general3A_592 : vector<128x128xf32> to vector<1x128x128xf32>
    tpu.vector_store %arg3[%swap3A_593, %swap3A_594, %swap3A_595], %swap3A_598 {strides = array<i32>} : memref<4x4096x128xf32, #tpu.memory_space<vmem>>, vector<1x128x128xf32>,
    %slice3A_599 = vector.extract_strided_slice %get3A_589 {offsets = [2, 0], sizes = [2, 128], strides = [1, 1]} : vector<64x128xf32> to vector<2x128xf32>
    %dot_general3A_600 = arith.constant dense<0.000000e+00> : vector<128x128xf32>
    %dot_general3A_601 = tpu.matmul %slice3A_599, %get3A_1, %dot_general3A_600 {dimension_numbers = #tpu.dot_dimension_numbers<[0], [0], [1], [1], [0, 1, 1, 1], [], []>, transpose_lhs_hint = false} : vector<2x128xf32>, vector<2x128xf32>, vector<128x128xf32> -> vector<128x128xf32>
    %swap3A_602 = arith.constant 2 : index
    %swap3A_603 = arith.constant 128 : index
    %swap3A_604 = arith.constant 0 : index
    %swap3A_605 = vector.load %arg3[%swap3A_602, %swap3A_603, %swap3A_604] : memref<4x4096x128xf32, #tpu.memory_space<vmem>>, vector<1x128x128xf32>
    %swap3A_606 = vector.shape_cast %swap3A_605 : vector<1x128x128xf32> to vector<128x128xf32>
    %swap3A_607 = vector.shape_cast %dot_general3A_601 : vector<128x128xf32> to vector<1x128x128xf32>
    tpu.vector_store %arg3[%swap3A_602, %swap3A_603, %swap3A_604], %swap3A_607 {strides = array<i32>} : memref<4x4096x128xf32, #tpu.memory_space<vmem>>, vector<1x128x128xf32>,
    %slice3A_608 = vector.extract_strided_slice %get3A_589 {offsets = [4, 0], sizes = [2, 128], strides = [1, 1]} : vector<64x128xf32> to vector<2x128xf32>
    %dot_general3A_609 = arith.constant dense<0.000000e+00> : vector<128x128xf32>
    %dot_general3A_610 = tpu.matmul %slice3A_608, %get3A_1, %dot_general3A_609 {dimension_numbers = #tpu.dot_dimension_numbers<[0], [0], [1], [1], [0, 1, 1, 1], [], []>, transpose_lhs_hint = false} : vector<2x128xf32>, vector<2x128xf32>, vector<128x128xf32> -> vector<128x128xf32>
    %swap3A_611 = arith.constant 2 : index
    %swap3A_612 = arith.constant 256 : index
    %swap3A_613 = arith.constant 0 : index
    %swap3A_614 = vector.load %arg3[%swap3A_611, %swap3A_612, %swap3A_613] : memref<4x4096x128xf32, #tpu.memory_space<vmem>>, vector<1x128x128xf32>
    %swap3A_615 = vector.shape_cast %swap3A_614 : vector<1x128x128xf32> to vector<128x128xf32>
    %swap3A_616 = vector.shape_cast %dot_general3A_610 : vector<128x128xf32> to vector<1x128x128xf32>
    tpu.vector_store %arg3[%swap3A_611, %swap3A_612, %swap3A_613], %swap3A_616 {strides = array<i32>} : memref<4x4096x128xf32, #tpu.memory_space<vmem>>, vector<1x128x128xf32>,
    %slice3A_617 = vector.extract_strided_slice %get3A_589 {offsets = [6, 0], sizes = [2, 128], strides = [1, 1]} : vector<64x128xf32> to vector<2x128xf32>
    %dot_general3A_618 = arith.constant dense<0.000000e+00> : vector<128x128xf32>
    %dot_general3A_619 = tpu.matmul %slice3A_617, %get3A_1, %dot_general3A_618 {dimension_numbers = #tpu.dot_dimension_numbers<[0], [0], [1], [1], [0, 1, 1, 1], [], []>, transpose_lhs_hint = false} : vector<2x128xf32>, vector<2x128xf32>, vector<128x128xf32> -> vector<128x128xf32>
    %swap3A_620 = arith.constant 2 : index
    %swap3A_621 = arith.constant 384 : index
    %swap3A_622 = arith.constant 0 : index
    %swap3A_623 = vector.load %arg3[%swap3A_620, %swap3A_621, %swap3A_622] : memref<4x4096x128xf32, #tpu.memory_space<vmem>>, vector<1x128x128xf32>
    %swap3A_624 = vector.shape_cast %swap3A_623 : vector<1x128x128xf32> to vector<128x128xf32>
    %swap3A_625 = vector.shape_cast %dot_general3A_619 : vector<128x128xf32> to vector<1x128x128xf32>
    tpu.vector_store %arg3[%swap3A_620, %swap3A_621, %swap3A_622], %swap3A_625 {strides = array<i32>} : memref<4x4096x128xf32, #tpu.memory_space<vmem>>, vector<1x128x128xf32>,
    %slice3A_626 = vector.extract_strided_slice %get3A_589 {offsets = [8, 0], sizes = [2, 128], strides = [1, 1]} : vector<64x128xf32> to vector<2x128xf32>
    %dot_general3A_627 = arith.constant dense<0.000000e+00> : vector<128x128xf32>
    %dot_general3A_628 = tpu.matmul %slice3A_626, %get3A_1, %dot_general3A_627 {dimension_numbers = #tpu.dot_dimension_numbers<[0], [0], [1], [1], [0, 1, 1, 1], [], []>, transpose_lhs_hint = false} : vector<2x128xf32>, vector<2x128xf32>, vector<128x128xf32> -> vector<128x128xf32>
    %swap3A_629 = arith.constant 2 : index
    %swap3A_630 = arith.constant 512 : index
    %swap3A_631 = arith.constant 0 : index
    %swap3A_632 = vector.load %arg3[%swap3A_629, %swap3A_630, %swap3A_631] : memref<4x4096x128xf32, #tpu.memory_space<vmem>>, vector<1x128x128xf32>
    %swap3A_633 = vector.shape_cast %swap3A_632 : vector<1x128x128xf32> to vector<128x128xf32>
    %swap3A_634 = vector.shape_cast %dot_general3A_628 : vector<128x128xf32> to vector<1x128x128xf32>
    tpu.vector_store %arg3[%swap3A_629, %swap3A_630, %swap3A_631], %swap3A_634 {strides = array<i32>} : memref<4x4096x128xf32, #tpu.memory_space<vmem>>, vector<1x128x128xf32>,
    %slice3A_635 = vector.extract_strided_slice %get3A_589 {offsets = [10, 0], sizes = [2, 128], strides = [1, 1]} : vector<64x128xf32> to vector<2x128xf32>
    %dot_general3A_636 = arith.constant dense<0.000000e+00> : vector<128x128xf32>
    %dot_general3A_637 = tpu.matmul %slice3A_635, %get3A_1, %dot_general3A_636 {dimension_numbers = #tpu.dot_dimension_numbers<[0], [0], [1], [1], [0, 1, 1, 1], [], []>, transpose_lhs_hint = false} : vector<2x128xf32>, vector<2x128xf32>, vector<128x128xf32> -> vector<128x128xf32>
    %swap3A_638 = arith.constant 2 : index
    %swap3A_639 = arith.constant 640 : index
    %swap3A_640 = arith.constant 0 : index
    %swap3A_641 = vector.load %arg3[%swap3A_638, %swap3A_639, %swap3A_640] : memref<4x4096x128xf32, #tpu.memory_space<vmem>>, vector<1x128x128xf32>
    %swap3A_642 = vector.shape_cast %swap3A_641 : vector<1x128x128xf32> to vector<128x128xf32>
    %swap3A_643 = vector.shape_cast %dot_general3A_637 : vector<128x128xf32> to vector<1x128x128xf32>
    tpu.vector_store %arg3[%swap3A_638, %swap3A_639, %swap3A_640], %swap3A_643 {strides = array<i32>} : memref<4x4096x128xf32, #tpu.memory_space<vmem>>, vector<1x128x128xf32>,
    %slice3A_644 = vector.extract_strided_slice %get3A_589 {offsets = [12, 0], sizes = [2, 128], strides = [1, 1]} : vector<64x128xf32> to vector<2x128xf32>
    %dot_general3A_645 = arith.constant dense<0.000000e+00> : vector<128x128xf32>
    %dot_general3A_646 = tpu.matmul %slice3A_644, %get3A_1, %dot_general3A_645 {dimension_numbers = #tpu.dot_dimension_numbers<[0], [0], [1], [1], [0, 1, 1, 1], [], []>, transpose_lhs_hint = false} : vector<2x128xf32>, vector<2x128xf32>, vector<128x128xf32> -> vector<128x128xf32>
    %swap3A_647 = arith.constant 2 : index
    %swap3A_648 = arith.constant 768 : index
    %swap3A_649 = arith.constant 0 : index
    %swap3A_650 = vector.load %arg3[%swap3A_647, %swap3A_648, %swap3A_649] : memref<4x4096x128xf32, #tpu.memory_space<vmem>>, vector<1x128x128xf32>
    %swap3A_651 = vector.shape_cast %swap3A_650 : vector<1x128x128xf32> to vector<128x128xf32>
    %swap3A_652 = vector.shape_cast %dot_general3A_646 : vector<128x128xf32> to vector<1x128x128xf32>
    tpu.vector_store %arg3[%swap3A_647, %swap3A_648, %swap3A_649], %swap3A_652 {strides = array<i32>} : memref<4x4096x128xf32, #tpu.memory_space<vmem>>, vector<1x128x128xf32>,
    %slice3A_653 = vector.extract_strided_slice %get3A_589 {offsets = [14, 0], sizes = [2, 128], strides = [1, 1]} : vector<64x128xf32> to vector<2x128xf32>
    %dot_general3A_654 = arith.constant dense<0.000000e+00> : vector<128x128xf32>
    %dot_general3A_655 = tpu.matmul %slice3A_653, %get3A_1, %dot_general3A_654 {dimension_numbers = #tpu.dot_dimension_numbers<[0], [0], [1], [1], [0, 1, 1, 1], [], []>, transpose_lhs_hint = false} : vector<2x128xf32>, vector<2x128xf32>, vector<128x128xf32> -> vector<128x128xf32>
    %swap3A_656 = arith.constant 2 : index
    %swap3A_657 = arith.constant 896 : index
    %swap3A_658 = arith.constant 0 : index
    %swap3A_659 = vector.load %arg3[%swap3A_656, %swap3A_657, %swap3A_658] : memref<4x4096x128xf32, #tpu.memory_space<vmem>>, vector<1x128x128xf32>
    %swap3A_660 = vector.shape_cast %swap3A_659 : vector<1x128x128xf32> to vector<128x128xf32>
    %swap3A_661 = vector.shape_cast %dot_general3A_655 : vector<128x128xf32> to vector<1x128x128xf32>
    tpu.vector_store %arg3[%swap3A_656, %swap3A_657, %swap3A_658], %swap3A_661 {strides = array<i32>} : memref<4x4096x128xf32, #tpu.memory_space<vmem>>, vector<1x128x128xf32>,
    %slice3A_662 = vector.extract_strided_slice %get3A_589 {offsets = [16, 0], sizes = [2, 128], strides = [1, 1]} : vector<64x128xf32> to vector<2x128xf32>
    %dot_general3A_663 = arith.constant dense<0.000000e+00> : vector<128x128xf32>
    %dot_general3A_664 = tpu.matmul %slice3A_662, %get3A_1, %dot_general3A_663 {dimension_numbers = #tpu.dot_dimension_numbers<[0], [0], [1], [1], [0, 1, 1, 1], [], []>, transpose_lhs_hint = false} : vector<2x128xf32>, vector<2x128xf32>, vector<128x128xf32> -> vector<128x128xf32>
    %swap3A_665 = arith.constant 2 : index
    %swap3A_666 = arith.constant 1024 : index
    %swap3A_667 = arith.constant 0 : index
    %swap3A_668 = vector.load %arg3[%swap3A_665, %swap3A_666, %swap3A_667] : memref<4x4096x128xf32, #tpu.memory_space<vmem>>, vector<1x128x128xf32>
    %swap3A_669 = vector.shape_cast %swap3A_668 : vector<1x128x128xf32> to vector<128x128xf32>
    %swap3A_670 = vector.shape_cast %dot_general3A_664 : vector<128x128xf32> to vector<1x128x128xf32>
    tpu.vector_store %arg3[%swap3A_665, %swap3A_666, %swap3A_667], %swap3A_670 {strides = array<i32>} : memref<4x4096x128xf32, #tpu.memory_space<vmem>>, vector<1x128x128xf32>,
    %slice3A_671 = vector.extract_strided_slice %get3A_589 {offsets = [18, 0], sizes = [2, 128], strides = [1, 1]} : vector<64x128xf32> to vector<2x128xf32>
    %dot_general3A_672 = arith.constant dense<0.000000e+00> : vector<128x128xf32>
    %dot_general3A_673 = tpu.matmul %slice3A_671, %get3A_1, %dot_general3A_672 {dimension_numbers = #tpu.dot_dimension_numbers<[0], [0], [1], [1], [0, 1, 1, 1], [], []>, transpose_lhs_hint = false} : vector<2x128xf32>, vector<2x128xf32>, vector<128x128xf32> -> vector<128x128xf32>
    %swap3A_674 = arith.constant 2 : index
    %swap3A_675 = arith.constant 1152 : index
    %swap3A_676 = arith.constant 0 : index
    %swap3A_677 = vector.load %arg3[%swap3A_674, %swap3A_675, %swap3A_676] : memref<4x4096x128xf32, #tpu.memory_space<vmem>>, vector<1x128x128xf32>
    %swap3A_678 = vector.shape_cast %swap3A_677 : vector<1x128x128xf32> to vector<128x128xf32>
    %swap3A_679 = vector.shape_cast %dot_general3A_673 : vector<128x128xf32> to vector<1x128x128xf32>
    tpu.vector_store %arg3[%swap3A_674, %swap3A_675, %swap3A_676], %swap3A_679 {strides = array<i32>} : memref<4x4096x128xf32, #tpu.memory_space<vmem>>, vector<1x128x128xf32>,
    %slice3A_680 = vector.extract_strided_slice %get3A_589 {offsets = [20, 0], sizes = [2, 128], strides = [1, 1]} : vector<64x128xf32> to vector<2x128xf32>
    %dot_general3A_681 = arith.constant dense<0.000000e+00> : vector<128x128xf32>
    %dot_general3A_682 = tpu.matmul %slice3A_680, %get3A_1, %dot_general3A_681 {dimension_numbers = #tpu.dot_dimension_numbers<[0], [0], [1], [1], [0, 1, 1, 1], [], []>, transpose_lhs_hint = false} : vector<2x128xf32>, vector<2x128xf32>, vector<128x128xf32> -> vector<128x128xf32>
    %swap3A_683 = arith.constant 2 : index
    %swap3A_684 = arith.constant 1280 : index
    %swap3A_685 = arith.constant 0 : index
    %swap3A_686 = vector.load %arg3[%swap3A_683, %swap3A_684, %swap3A_685] : memref<4x4096x128xf32, #tpu.memory_space<vmem>>, vector<1x128x128xf32>
    %swap3A_687 = vector.shape_cast %swap3A_686 : vector<1x128x128xf32> to vector<128x128xf32>
    %swap3A_688 = vector.shape_cast %dot_general3A_682 : vector<128x128xf32> to vector<1x128x128xf32>
    tpu.vector_store %arg3[%swap3A_683, %swap3A_684, %swap3A_685], %swap3A_688 {strides = array<i32>} : memref<4x4096x128xf32, #tpu.memory_space<vmem>>, vector<1x128x128xf32>,
    %slice3A_689 = vector.extract_strided_slice %get3A_589 {offsets = [22, 0], sizes = [2, 128], strides = [1, 1]} : vector<64x128xf32> to vector<2x128xf32>
    %dot_general3A_690 = arith.constant dense<0.000000e+00> : vector<128x128xf32>
    %dot_general3A_691 = tpu.matmul %slice3A_689, %get3A_1, %dot_general3A_690 {dimension_numbers = #tpu.dot_dimension_numbers<[0], [0], [1], [1], [0, 1, 1, 1], [], []>, transpose_lhs_hint = false} : vector<2x128xf32>, vector<2x128xf32>, vector<128x128xf32> -> vector<128x128xf32>
    %swap3A_692 = arith.constant 2 : index
    %swap3A_693 = arith.constant 1408 : index
    %swap3A_694 = arith.constant 0 : index
    %swap3A_695 = vector.load %arg3[%swap3A_692, %swap3A_693, %swap3A_694] : memref<4x4096x128xf32, #tpu.memory_space<vmem>>, vector<1x128x128xf32>
    %swap3A_696 = vector.shape_cast %swap3A_695 : vector<1x128x128xf32> to vector<128x128xf32>
    %swap3A_697 = vector.shape_cast %dot_general3A_691 : vector<128x128xf32> to vector<1x128x128xf32>
    tpu.vector_store %arg3[%swap3A_692, %swap3A_693, %swap3A_694], %swap3A_697 {strides = array<i32>} : memref<4x4096x128xf32, #tpu.memory_space<vmem>>, vector<1x128x128xf32>,
    %slice3A_698 = vector.extract_strided_slice %get3A_589 {offsets = [24, 0], sizes = [2, 128], strides = [1, 1]} : vector<64x128xf32> to vector<2x128xf32>
    %dot_general3A_699 = arith.constant dense<0.000000e+00> : vector<128x128xf32>
    %dot_general3A_700 = tpu.matmul %slice3A_698, %get3A_1, %dot_general3A_699 {dimension_numbers = #tpu.dot_dimension_numbers<[0], [0], [1], [1], [0, 1, 1, 1], [], []>, transpose_lhs_hint = false} : vector<2x128xf32>, vector<2x128xf32>, vector<128x128xf32> -> vector<128x128xf32>
    %swap3A_701 = arith.constant 2 : index
    %swap3A_702 = arith.constant 1536 : index
    %swap3A_703 = arith.constant 0 : index
    %swap3A_704 = vector.load %arg3[%swap3A_701, %swap3A_702, %swap3A_703] : memref<4x4096x128xf32, #tpu.memory_space<vmem>>, vector<1x128x128xf32>
    %swap3A_705 = vector.shape_cast %swap3A_704 : vector<1x128x128xf32> to vector<128x128xf32>
    %swap3A_706 = vector.shape_cast %dot_general3A_700 : vector<128x128xf32> to vector<1x128x128xf32>
    tpu.vector_store %arg3[%swap3A_701, %swap3A_702, %swap3A_703], %swap3A_706 {strides = array<i32>} : memref<4x4096x128xf32, #tpu.memory_space<vmem>>, vector<1x128x128xf32>,
    %slice3A_707 = vector.extract_strided_slice %get3A_589 {offsets = [26, 0], sizes = [2, 128], strides = [1, 1]} : vector<64x128xf32> to vector<2x128xf32>
    %dot_general3A_708 = arith.constant dense<0.000000e+00> : vector<128x128xf32>
    %dot_general3A_709 = tpu.matmul %slice3A_707, %get3A_1, %dot_general3A_708 {dimension_numbers = #tpu.dot_dimension_numbers<[0], [0], [1], [1], [0, 1, 1, 1], [], []>, transpose_lhs_hint = false} : vector<2x128xf32>, vector<2x128xf32>, vector<128x128xf32> -> vector<128x128xf32>
    %swap3A_710 = arith.constant 2 : index
    %swap3A_711 = arith.constant 1664 : index
    %swap3A_712 = arith.constant 0 : index
    %swap3A_713 = vector.load %arg3[%swap3A_710, %swap3A_711, %swap3A_712] : memref<4x4096x128xf32, #tpu.memory_space<vmem>>, vector<1x128x128xf32>
    %swap3A_714 = vector.shape_cast %swap3A_713 : vector<1x128x128xf32> to vector<128x128xf32>
    %swap3A_715 = vector.shape_cast %dot_general3A_709 : vector<128x128xf32> to vector<1x128x128xf32>
    tpu.vector_store %arg3[%swap3A_710, %swap3A_711, %swap3A_712], %swap3A_715 {strides = array<i32>} : memref<4x4096x128xf32, #tpu.memory_space<vmem>>, vector<1x128x128xf32>,
    %slice3A_716 = vector.extract_strided_slice %get3A_589 {offsets = [28, 0], sizes = [2, 128], strides = [1, 1]} : vector<64x128xf32> to vector<2x128xf32>
    %dot_general3A_717 = arith.constant dense<0.000000e+00> : vector<128x128xf32>
    %dot_general3A_718 = tpu.matmul %slice3A_716, %get3A_1, %dot_general3A_717 {dimension_numbers = #tpu.dot_dimension_numbers<[0], [0], [1], [1], [0, 1, 1, 1], [], []>, transpose_lhs_hint = false} : vector<2x128xf32>, vector<2x128xf32>, vector<128x128xf32> -> vector<128x128xf32>
    %swap3A_719 = arith.constant 2 : index
    %swap3A_720 = arith.constant 1792 : index
    %swap3A_721 = arith.constant 0 : index
    %swap3A_722 = vector.load %arg3[%swap3A_719, %swap3A_720, %swap3A_721] : memref<4x4096x128xf32, #tpu.memory_space<vmem>>, vector<1x128x128xf32>
    %swap3A_723 = vector.shape_cast %swap3A_722 : vector<1x128x128xf32> to vector<128x128xf32>
    %swap3A_724 = vector.shape_cast %dot_general3A_718 : vector<128x128xf32> to vector<1x128x128xf32>
    tpu.vector_store %arg3[%swap3A_719, %swap3A_720, %swap3A_721], %swap3A_724 {strides = array<i32>} : memref<4x4096x128xf32, #tpu.memory_space<vmem>>, vector<1x128x128xf32>,
    %slice3A_725 = vector.extract_strided_slice %get3A_589 {offsets = [30, 0], sizes = [2, 128], strides = [1, 1]} : vector<64x128xf32> to vector<2x128xf32>
    %dot_general3A_726 = arith.constant dense<0.000000e+00> : vector<128x128xf32>
    %dot_general3A_727 = tpu.matmul %slice3A_725, %get3A_1, %dot_general3A_726 {dimension_numbers = #tpu.dot_dimension_numbers<[0], [0], [1], [1], [0, 1, 1, 1], [], []>, transpose_lhs_hint = false} : vector<2x128xf32>, vector<2x128xf32>, vector<128x128xf32> -> vector<128x128xf32>
    %swap3A_728 = arith.constant 2 : index
    %swap3A_729 = arith.constant 1920 : index
    %swap3A_730 = arith.constant 0 : index
    %swap3A_731 = vector.load %arg3[%swap3A_728, %swap3A_729, %swap3A_730] : memref<4x4096x128xf32, #tpu.memory_space<vmem>>, vector<1x128x128xf32>
    %swap3A_732 = vector.shape_cast %swap3A_731 : vector<1x128x128xf32> to vector<128x128xf32>
    %swap3A_733 = vector.shape_cast %dot_general3A_727 : vector<128x128xf32> to vector<1x128x128xf32>
    tpu.vector_store %arg3[%swap3A_728, %swap3A_729, %swap3A_730], %swap3A_733 {strides = array<i32>} : memref<4x4096x128xf32, #tpu.memory_space<vmem>>, vector<1x128x128xf32>,
    %slice3A_734 = vector.extract_strided_slice %get3A_589 {offsets = [32, 0], sizes = [2, 128], strides = [1, 1]} : vector<64x128xf32> to vector<2x128xf32>
    %dot_general3A_735 = arith.constant dense<0.000000e+00> : vector<128x128xf32>
    %dot_general3A_736 = tpu.matmul %slice3A_734, %get3A_1, %dot_general3A_735 {dimension_numbers = #tpu.dot_dimension_numbers<[0], [0], [1], [1], [0, 1, 1, 1], [], []>, transpose_lhs_hint = false} : vector<2x128xf32>, vector<2x128xf32>, vector<128x128xf32> -> vector<128x128xf32>
    %swap3A_737 = arith.constant 2 : index
    %swap3A_738 = arith.constant 2048 : index
    %swap3A_739 = arith.constant 0 : index
    %swap3A_740 = vector.load %arg3[%swap3A_737, %swap3A_738, %swap3A_739] : memref<4x4096x128xf32, #tpu.memory_space<vmem>>, vector<1x128x128xf32>
    %swap3A_741 = vector.shape_cast %swap3A_740 : vector<1x128x128xf32> to vector<128x128xf32>
    %swap3A_742 = vector.shape_cast %dot_general3A_736 : vector<128x128xf32> to vector<1x128x128xf32>
    tpu.vector_store %arg3[%swap3A_737, %swap3A_738, %swap3A_739], %swap3A_742 {strides = array<i32>} : memref<4x4096x128xf32, #tpu.memory_space<vmem>>, vector<1x128x128xf32>,
    %slice3A_743 = vector.extract_strided_slice %get3A_589 {offsets = [34, 0], sizes = [2, 128], strides = [1, 1]} : vector<64x128xf32> to vector<2x128xf32>
    %dot_general3A_744 = arith.constant dense<0.000000e+00> : vector<128x128xf32>
    %dot_general3A_745 = tpu.matmul %slice3A_743, %get3A_1, %dot_general3A_744 {dimension_numbers = #tpu.dot_dimension_numbers<[0], [0], [1], [1], [0, 1, 1, 1], [], []>, transpose_lhs_hint = false} : vector<2x128xf32>, vector<2x128xf32>, vector<128x128xf32> -> vector<128x128xf32>
    %swap3A_746 = arith.constant 2 : index
    %swap3A_747 = arith.constant 2176 : index
    %swap3A_748 = arith.constant 0 : index
    %swap3A_749 = vector.load %arg3[%swap3A_746, %swap3A_747, %swap3A_748] : memref<4x4096x128xf32, #tpu.memory_space<vmem>>, vector<1x128x128xf32>
    %swap3A_750 = vector.shape_cast %swap3A_749 : vector<1x128x128xf32> to vector<128x128xf32>
    %swap3A_751 = vector.shape_cast %dot_general3A_745 : vector<128x128xf32> to vector<1x128x128xf32>
    tpu.vector_store %arg3[%swap3A_746, %swap3A_747, %swap3A_748], %swap3A_751 {strides = array<i32>} : memref<4x4096x128xf32, #tpu.memory_space<vmem>>, vector<1x128x128xf32>,
    %slice3A_752 = vector.extract_strided_slice %get3A_589 {offsets = [36, 0], sizes = [2, 128], strides = [1, 1]} : vector<64x128xf32> to vector<2x128xf32>
    %dot_general3A_753 = arith.constant dense<0.000000e+00> : vector<128x128xf32>
    %dot_general3A_754 = tpu.matmul %slice3A_752, %get3A_1, %dot_general3A_753 {dimension_numbers = #tpu.dot_dimension_numbers<[0], [0], [1], [1], [0, 1, 1, 1], [], []>, transpose_lhs_hint = false} : vector<2x128xf32>, vector<2x128xf32>, vector<128x128xf32> -> vector<128x128xf32>
    %swap3A_755 = arith.constant 2 : index
    %swap3A_756 = arith.constant 2304 : index
    %swap3A_757 = arith.constant 0 : index
    %swap3A_758 = vector.load %arg3[%swap3A_755, %swap3A_756, %swap3A_757] : memref<4x4096x128xf32, #tpu.memory_space<vmem>>, vector<1x128x128xf32>
    %swap3A_759 = vector.shape_cast %swap3A_758 : vector<1x128x128xf32> to vector<128x128xf32>
    %swap3A_760 = vector.shape_cast %dot_general3A_754 : vector<128x128xf32> to vector<1x128x128xf32>
    tpu.vector_store %arg3[%swap3A_755, %swap3A_756, %swap3A_757], %swap3A_760 {strides = array<i32>} : memref<4x4096x128xf32, #tpu.memory_space<vmem>>, vector<1x128x128xf32>,
    %slice3A_761 = vector.extract_strided_slice %get3A_589 {offsets = [38, 0], sizes = [2, 128], strides = [1, 1]} : vector<64x128xf32> to vector<2x128xf32>
    %dot_general3A_762 = arith.constant dense<0.000000e+00> : vector<128x128xf32>
    %dot_general3A_763 = tpu.matmul %slice3A_761, %get3A_1, %dot_general3A_762 {dimension_numbers = #tpu.dot_dimension_numbers<[0], [0], [1], [1], [0, 1, 1, 1], [], []>, transpose_lhs_hint = false} : vector<2x128xf32>, vector<2x128xf32>, vector<128x128xf32> -> vector<128x128xf32>
    %swap3A_764 = arith.constant 2 : index
    %swap3A_765 = arith.constant 2432 : index
    %swap3A_766 = arith.constant 0 : index
    %swap3A_767 = vector.load %arg3[%swap3A_764, %swap3A_765, %swap3A_766] : memref<4x4096x128xf32, #tpu.memory_space<vmem>>, vector<1x128x128xf32>
    %swap3A_768 = vector.shape_cast %swap3A_767 : vector<1x128x128xf32> to vector<128x128xf32>
    %swap3A_769 = vector.shape_cast %dot_general3A_763 : vector<128x128xf32> to vector<1x128x128xf32>
    tpu.vector_store %arg3[%swap3A_764, %swap3A_765, %swap3A_766], %swap3A_769 {strides = array<i32>} : memref<4x4096x128xf32, #tpu.memory_space<vmem>>, vector<1x128x128xf32>,
    %slice3A_770 = vector.extract_strided_slice %get3A_589 {offsets = [40, 0], sizes = [2, 128], strides = [1, 1]} : vector<64x128xf32> to vector<2x128xf32>
    %dot_general3A_771 = arith.constant dense<0.000000e+00> : vector<128x128xf32>
    %dot_general3A_772 = tpu.matmul %slice3A_770, %get3A_1, %dot_general3A_771 {dimension_numbers = #tpu.dot_dimension_numbers<[0], [0], [1], [1], [0, 1, 1, 1], [], []>, transpose_lhs_hint = false} : vector<2x128xf32>, vector<2x128xf32>, vector<128x128xf32> -> vector<128x128xf32>
    %swap3A_773 = arith.constant 2 : index
    %swap3A_774 = arith.constant 2560 : index
    %swap3A_775 = arith.constant 0 : index
    %swap3A_776 = vector.load %arg3[%swap3A_773, %swap3A_774, %swap3A_775] : memref<4x4096x128xf32, #tpu.memory_space<vmem>>, vector<1x128x128xf32>
    %swap3A_777 = vector.shape_cast %swap3A_776 : vector<1x128x128xf32> to vector<128x128xf32>
    %swap3A_778 = vector.shape_cast %dot_general3A_772 : vector<128x128xf32> to vector<1x128x128xf32>
    tpu.vector_store %arg3[%swap3A_773, %swap3A_774, %swap3A_775], %swap3A_778 {strides = array<i32>} : memref<4x4096x128xf32, #tpu.memory_space<vmem>>, vector<1x128x128xf32>,
    %slice3A_779 = vector.extract_strided_slice %get3A_589 {offsets = [42, 0], sizes = [2, 128], strides = [1, 1]} : vector<64x128xf32> to vector<2x128xf32>
    %dot_general3A_780 = arith.constant dense<0.000000e+00> : vector<128x128xf32>
    %dot_general3A_781 = tpu.matmul %slice3A_779, %get3A_1, %dot_general3A_780 {dimension_numbers = #tpu.dot_dimension_numbers<[0], [0], [1], [1], [0, 1, 1, 1], [], []>, transpose_lhs_hint = false} : vector<2x128xf32>, vector<2x128xf32>, vector<128x128xf32> -> vector<128x128xf32>
    %swap3A_782 = arith.constant 2 : index
    %swap3A_783 = arith.constant 2688 : index
    %swap3A_784 = arith.constant 0 : index
    %swap3A_785 = vector.load %arg3[%swap3A_782, %swap3A_783, %swap3A_784] : memref<4x4096x128xf32, #tpu.memory_space<vmem>>, vector<1x128x128xf32>
    %swap3A_786 = vector.shape_cast %swap3A_785 : vector<1x128x128xf32> to vector<128x128xf32>
    %swap3A_787 = vector.shape_cast %dot_general3A_781 : vector<128x128xf32> to vector<1x128x128xf32>
    tpu.vector_store %arg3[%swap3A_782, %swap3A_783, %swap3A_784], %swap3A_787 {strides = array<i32>} : memref<4x4096x128xf32, #tpu.memory_space<vmem>>, vector<1x128x128xf32>,
    %slice3A_788 = vector.extract_strided_slice %get3A_589 {offsets = [44, 0], sizes = [2, 128], strides = [1, 1]} : vector<64x128xf32> to vector<2x128xf32>
    %dot_general3A_789 = arith.constant dense<0.000000e+00> : vector<128x128xf32>
    %dot_general3A_790 = tpu.matmul %slice3A_788, %get3A_1, %dot_general3A_789 {dimension_numbers = #tpu.dot_dimension_numbers<[0], [0], [1], [1], [0, 1, 1, 1], [], []>, transpose_lhs_hint = false} : vector<2x128xf32>, vector<2x128xf32>, vector<128x128xf32> -> vector<128x128xf32>
    %swap3A_791 = arith.constant 2 : index
    %swap3A_792 = arith.constant 2816 : index
    %swap3A_793 = arith.constant 0 : index
    %swap3A_794 = vector.load %arg3[%swap3A_791, %swap3A_792, %swap3A_793] : memref<4x4096x128xf32, #tpu.memory_space<vmem>>, vector<1x128x128xf32>
    %swap3A_795 = vector.shape_cast %swap3A_794 : vector<1x128x128xf32> to vector<128x128xf32>
    %swap3A_796 = vector.shape_cast %dot_general3A_790 : vector<128x128xf32> to vector<1x128x128xf32>
    tpu.vector_store %arg3[%swap3A_791, %swap3A_792, %swap3A_793], %swap3A_796 {strides = array<i32>} : memref<4x4096x128xf32, #tpu.memory_space<vmem>>, vector<1x128x128xf32>,
    %slice3A_797 = vector.extract_strided_slice %get3A_589 {offsets = [46, 0], sizes = [2, 128], strides = [1, 1]} : vector<64x128xf32> to vector<2x128xf32>
    %dot_general3A_798 = arith.constant dense<0.000000e+00> : vector<128x128xf32>
    %dot_general3A_799 = tpu.matmul %slice3A_797, %get3A_1, %dot_general3A_798 {dimension_numbers = #tpu.dot_dimension_numbers<[0], [0], [1], [1], [0, 1, 1, 1], [], []>, transpose_lhs_hint = false} : vector<2x128xf32>, vector<2x128xf32>, vector<128x128xf32> -> vector<128x128xf32>
    %swap3A_800 = arith.constant 2 : index
    %swap3A_801 = arith.constant 2944 : index
    %swap3A_802 = arith.constant 0 : index
    %swap3A_803 = vector.load %arg3[%swap3A_800, %swap3A_801, %swap3A_802] : memref<4x4096x128xf32, #tpu.memory_space<vmem>>, vector<1x128x128xf32>
    %swap3A_804 = vector.shape_cast %swap3A_803 : vector<1x128x128xf32> to vector<128x128xf32>
    %swap3A_805 = vector.shape_cast %dot_general3A_799 : vector<128x128xf32> to vector<1x128x128xf32>
    tpu.vector_store %arg3[%swap3A_800, %swap3A_801, %swap3A_802], %swap3A_805 {strides = array<i32>} : memref<4x4096x128xf32, #tpu.memory_space<vmem>>, vector<1x128x128xf32>,
    %slice3A_806 = vector.extract_strided_slice %get3A_589 {offsets = [48, 0], sizes = [2, 128], strides = [1, 1]} : vector<64x128xf32> to vector<2x128xf32>
    %dot_general3A_807 = arith.constant dense<0.000000e+00> : vector<128x128xf32>
    %dot_general3A_808 = tpu.matmul %slice3A_806, %get3A_1, %dot_general3A_807 {dimension_numbers = #tpu.dot_dimension_numbers<[0], [0], [1], [1], [0, 1, 1, 1], [], []>, transpose_lhs_hint = false} : vector<2x128xf32>, vector<2x128xf32>, vector<128x128xf32> -> vector<128x128xf32>
    %swap3A_809 = arith.constant 2 : index
    %swap3A_810 = arith.constant 3072 : index
    %swap3A_811 = arith.constant 0 : index
    %swap3A_812 = vector.load %arg3[%swap3A_809, %swap3A_810, %swap3A_811] : memref<4x4096x128xf32, #tpu.memory_space<vmem>>, vector<1x128x128xf32>
    %swap3A_813 = vector.shape_cast %swap3A_812 : vector<1x128x128xf32> to vector<128x128xf32>
    %swap3A_814 = vector.shape_cast %dot_general3A_808 : vector<128x128xf32> to vector<1x128x128xf32>
    tpu.vector_store %arg3[%swap3A_809, %swap3A_810, %swap3A_811], %swap3A_814 {strides = array<i32>} : memref<4x4096x128xf32, #tpu.memory_space<vmem>>, vector<1x128x128xf32>,
    %slice3A_815 = vector.extract_strided_slice %get3A_589 {offsets = [50, 0], sizes = [2, 128], strides = [1, 1]} : vector<64x128xf32> to vector<2x128xf32>
    %dot_general3A_816 = arith.constant dense<0.000000e+00> : vector<128x128xf32>
    %dot_general3A_817 = tpu.matmul %slice3A_815, %get3A_1, %dot_general3A_816 {dimension_numbers = #tpu.dot_dimension_numbers<[0], [0], [1], [1], [0, 1, 1, 1], [], []>, transpose_lhs_hint = false} : vector<2x128xf32>, vector<2x128xf32>, vector<128x128xf32> -> vector<128x128xf32>
    %swap3A_818 = arith.constant 2 : index
    %swap3A_819 = arith.constant 3200 : index
    %swap3A_820 = arith.constant 0 : index
    %swap3A_821 = vector.load %arg3[%swap3A_818, %swap3A_819, %swap3A_820] : memref<4x4096x128xf32, #tpu.memory_space<vmem>>, vector<1x128x128xf32>
    %swap3A_822 = vector.shape_cast %swap3A_821 : vector<1x128x128xf32> to vector<128x128xf32>
    %swap3A_823 = vector.shape_cast %dot_general3A_817 : vector<128x128xf32> to vector<1x128x128xf32>
    tpu.vector_store %arg3[%swap3A_818, %swap3A_819, %swap3A_820], %swap3A_823 {strides = array<i32>} : memref<4x4096x128xf32, #tpu.memory_space<vmem>>, vector<1x128x128xf32>,
    %slice3A_824 = vector.extract_strided_slice %get3A_589 {offsets = [52, 0], sizes = [2, 128], strides = [1, 1]} : vector<64x128xf32> to vector<2x128xf32>
    %dot_general3A_825 = arith.constant dense<0.000000e+00> : vector<128x128xf32>
    %dot_general3A_826 = tpu.matmul %slice3A_824, %get3A_1, %dot_general3A_825 {dimension_numbers = #tpu.dot_dimension_numbers<[0], [0], [1], [1], [0, 1, 1, 1], [], []>, transpose_lhs_hint = false} : vector<2x128xf32>, vector<2x128xf32>, vector<128x128xf32> -> vector<128x128xf32>
    %swap3A_827 = arith.constant 2 : index
    %swap3A_828 = arith.constant 3328 : index
    %swap3A_829 = arith.constant 0 : index
    %swap3A_830 = vector.load %arg3[%swap3A_827, %swap3A_828, %swap3A_829] : memref<4x4096x128xf32, #tpu.memory_space<vmem>>, vector<1x128x128xf32>
    %swap3A_831 = vector.shape_cast %swap3A_830 : vector<1x128x128xf32> to vector<128x128xf32>
    %swap3A_832 = vector.shape_cast %dot_general3A_826 : vector<128x128xf32> to vector<1x128x128xf32>
    tpu.vector_store %arg3[%swap3A_827, %swap3A_828, %swap3A_829], %swap3A_832 {strides = array<i32>} : memref<4x4096x128xf32, #tpu.memory_space<vmem>>, vector<1x128x128xf32>,
    %slice3A_833 = vector.extract_strided_slice %get3A_589 {offsets = [54, 0], sizes = [2, 128], strides = [1, 1]} : vector<64x128xf32> to vector<2x128xf32>
    %dot_general3A_834 = arith.constant dense<0.000000e+00> : vector<128x128xf32>
    %dot_general3A_835 = tpu.matmul %slice3A_833, %get3A_1, %dot_general3A_834 {dimension_numbers = #tpu.dot_dimension_numbers<[0], [0], [1], [1], [0, 1, 1, 1], [], []>, transpose_lhs_hint = false} : vector<2x128xf32>, vector<2x128xf32>, vector<128x128xf32> -> vector<128x128xf32>
    %swap3A_836 = arith.constant 2 : index
    %swap3A_837 = arith.constant 3456 : index
    %swap3A_838 = arith.constant 0 : index
    %swap3A_839 = vector.load %arg3[%swap3A_836, %swap3A_837, %swap3A_838] : memref<4x4096x128xf32, #tpu.memory_space<vmem>>, vector<1x128x128xf32>
    %swap3A_840 = vector.shape_cast %swap3A_839 : vector<1x128x128xf32> to vector<128x128xf32>
    %swap3A_841 = vector.shape_cast %dot_general3A_835 : vector<128x128xf32> to vector<1x128x128xf32>
    tpu.vector_store %arg3[%swap3A_836, %swap3A_837, %swap3A_838], %swap3A_841 {strides = array<i32>} : memref<4x4096x128xf32, #tpu.memory_space<vmem>>, vector<1x128x128xf32>,
    %slice3A_842 = vector.extract_strided_slice %get3A_589 {offsets = [56, 0], sizes = [2, 128], strides = [1, 1]} : vector<64x128xf32> to vector<2x128xf32>
    %dot_general3A_843 = arith.constant dense<0.000000e+00> : vector<128x128xf32>
    %dot_general3A_844 = tpu.matmul %slice3A_842, %get3A_1, %dot_general3A_843 {dimension_numbers = #tpu.dot_dimension_numbers<[0], [0], [1], [1], [0, 1, 1, 1], [], []>, transpose_lhs_hint = false} : vector<2x128xf32>, vector<2x128xf32>, vector<128x128xf32> -> vector<128x128xf32>
    %swap3A_845 = arith.constant 2 : index
    %swap3A_846 = arith.constant 3584 : index
    %swap3A_847 = arith.constant 0 : index
    %swap3A_848 = vector.load %arg3[%swap3A_845, %swap3A_846, %swap3A_847] : memref<4x4096x128xf32, #tpu.memory_space<vmem>>, vector<1x128x128xf32>
    %swap3A_849 = vector.shape_cast %swap3A_848 : vector<1x128x128xf32> to vector<128x128xf32>
    %swap3A_850 = vector.shape_cast %dot_general3A_844 : vector<128x128xf32> to vector<1x128x128xf32>
    tpu.vector_store %arg3[%swap3A_845, %swap3A_846, %swap3A_847], %swap3A_850 {strides = array<i32>} : memref<4x4096x128xf32, #tpu.memory_space<vmem>>, vector<1x128x128xf32>,
    %slice3A_851 = vector.extract_strided_slice %get3A_589 {offsets = [58, 0], sizes = [2, 128], strides = [1, 1]} : vector<64x128xf32> to vector<2x128xf32>
    %dot_general3A_852 = arith.constant dense<0.000000e+00> : vector<128x128xf32>
    %dot_general3A_853 = tpu.matmul %slice3A_851, %get3A_1, %dot_general3A_852 {dimension_numbers = #tpu.dot_dimension_numbers<[0], [0], [1], [1], [0, 1, 1, 1], [], []>, transpose_lhs_hint = false} : vector<2x128xf32>, vector<2x128xf32>, vector<128x128xf32> -> vector<128x128xf32>
    %swap3A_854 = arith.constant 2 : index
    %swap3A_855 = arith.constant 3712 : index
    %swap3A_856 = arith.constant 0 : index
    %swap3A_857 = vector.load %arg3[%swap3A_854, %swap3A_855, %swap3A_856] : memref<4x4096x128xf32, #tpu.memory_space<vmem>>, vector<1x128x128xf32>
    %swap3A_858 = vector.shape_cast %swap3A_857 : vector<1x128x128xf32> to vector<128x128xf32>
    %swap3A_859 = vector.shape_cast %dot_general3A_853 : vector<128x128xf32> to vector<1x128x128xf32>
    tpu.vector_store %arg3[%swap3A_854, %swap3A_855, %swap3A_856], %swap3A_859 {strides = array<i32>} : memref<4x4096x128xf32, #tpu.memory_space<vmem>>, vector<1x128x128xf32>,
    %slice3A_860 = vector.extract_strided_slice %get3A_589 {offsets = [60, 0], sizes = [2, 128], strides = [1, 1]} : vector<64x128xf32> to vector<2x128xf32>
    %dot_general3A_861 = arith.constant dense<0.000000e+00> : vector<128x128xf32>
    %dot_general3A_862 = tpu.matmul %slice3A_860, %get3A_1, %dot_general3A_861 {dimension_numbers = #tpu.dot_dimension_numbers<[0], [0], [1], [1], [0, 1, 1, 1], [], []>, transpose_lhs_hint = false} : vector<2x128xf32>, vector<2x128xf32>, vector<128x128xf32> -> vector<128x128xf32>
    %swap3A_863 = arith.constant 2 : index
    %swap3A_864 = arith.constant 3840 : index
    %swap3A_865 = arith.constant 0 : index
    %swap3A_866 = vector.load %arg3[%swap3A_863, %swap3A_864, %swap3A_865] : memref<4x4096x128xf32, #tpu.memory_space<vmem>>, vector<1x128x128xf32>
    %swap3A_867 = vector.shape_cast %swap3A_866 : vector<1x128x128xf32> to vector<128x128xf32>
    %swap3A_868 = vector.shape_cast %dot_general3A_862 : vector<128x128xf32> to vector<1x128x128xf32>
    tpu.vector_store %arg3[%swap3A_863, %swap3A_864, %swap3A_865], %swap3A_868 {strides = array<i32>} : memref<4x4096x128xf32, #tpu.memory_space<vmem>>, vector<1x128x128xf32>,
    %slice3A_869 = vector.extract_strided_slice %get3A_589 {offsets = [62, 0], sizes = [2, 128], strides = [1, 1]} : vector<64x128xf32> to vector<2x128xf32>
    %dot_general3A_870 = arith.constant dense<0.000000e+00> : vector<128x128xf32>
    %dot_general3A_871 = tpu.matmul %slice3A_869, %get3A_1, %dot_general3A_870 {dimension_numbers = #tpu.dot_dimension_numbers<[0], [0], [1], [1], [0, 1, 1, 1], [], []>, transpose_lhs_hint = false} : vector<2x128xf32>, vector<2x128xf32>, vector<128x128xf32> -> vector<128x128xf32>
    %swap3A_872 = arith.constant 2 : index
    %swap3A_873 = arith.constant 3968 : index
    %swap3A_874 = arith.constant 0 : index
    %swap3A_875 = vector.load %arg3[%swap3A_872, %swap3A_873, %swap3A_874] : memref<4x4096x128xf32, #tpu.memory_space<vmem>>, vector<1x128x128xf32>
    %swap3A_876 = vector.shape_cast %swap3A_875 : vector<1x128x128xf32> to vector<128x128xf32>
    %swap3A_877 = vector.shape_cast %dot_general3A_871 : vector<128x128xf32> to vector<1x128x128xf32>
    tpu.vector_store %arg3[%swap3A_872, %swap3A_873, %swap3A_874], %swap3A_877 {strides = array<i32>} : memref<4x4096x128xf32, #tpu.memory_space<vmem>>, vector<1x128x128xf32>,
    %get3A_878 = arith.constant 3 : index
    %get3A_879 = arith.constant 0 : index
    %get3A_880 = arith.constant 0 : index
    %get3A_881 = vector.load %arg1[%get3A_878, %get3A_879, %get3A_880] : memref<4x64x128xf32, #tpu.memory_space<vmem>>, vector<1x64x128xf32>
    %get3A_882 = vector.shape_cast %get3A_881 : vector<1x64x128xf32> to vector<64x128xf32>
    %slice3A_883 = vector.extract_strided_slice %get3A_882 {offsets = [0, 0], sizes = [2, 128], strides = [1, 1]} : vector<64x128xf32> to vector<2x128xf32>
    %dot_general3A_884 = arith.constant dense<0.000000e+00> : vector<128x128xf32>
    %dot_general3A_885 = tpu.matmul %slice3A_883, %get3A_1, %dot_general3A_884 {dimension_numbers = #tpu.dot_dimension_numbers<[0], [0], [1], [1], [0, 1, 1, 1], [], []>, transpose_lhs_hint = false} : vector<2x128xf32>, vector<2x128xf32>, vector<128x128xf32> -> vector<128x128xf32>
    %swap3A_886 = arith.constant 3 : index
    %swap3A_887 = arith.constant 0 : index
    %swap3A_888 = arith.constant 0 : index
    %swap3A_889 = vector.load %arg3[%swap3A_886, %swap3A_887, %swap3A_888] : memref<4x4096x128xf32, #tpu.memory_space<vmem>>, vector<1x128x128xf32>
    %swap3A_890 = vector.shape_cast %swap3A_889 : vector<1x128x128xf32> to vector<128x128xf32>
    %swap3A_891 = vector.shape_cast %dot_general3A_885 : vector<128x128xf32> to vector<1x128x128xf32>
    tpu.vector_store %arg3[%swap3A_886, %swap3A_887, %swap3A_888], %swap3A_891 {strides = array<i32>} : memref<4x4096x128xf32, #tpu.memory_space<vmem>>, vector<1x128x128xf32>,
    %slice3A_892 = vector.extract_strided_slice %get3A_882 {offsets = [2, 0], sizes = [2, 128], strides = [1, 1]} : vector<64x128xf32> to vector<2x128xf32>
    %dot_general3A_893 = arith.constant dense<0.000000e+00> : vector<128x128xf32>
    %dot_general3A_894 = tpu.matmul %slice3A_892, %get3A_1, %dot_general3A_893 {dimension_numbers = #tpu.dot_dimension_numbers<[0], [0], [1], [1], [0, 1, 1, 1], [], []>, transpose_lhs_hint = false} : vector<2x128xf32>, vector<2x128xf32>, vector<128x128xf32> -> vector<128x128xf32>
    %swap3A_895 = arith.constant 3 : index
    %swap3A_896 = arith.constant 128 : index
    %swap3A_897 = arith.constant 0 : index
    %swap3A_898 = vector.load %arg3[%swap3A_895, %swap3A_896, %swap3A_897] : memref<4x4096x128xf32, #tpu.memory_space<vmem>>, vector<1x128x128xf32>
    %swap3A_899 = vector.shape_cast %swap3A_898 : vector<1x128x128xf32> to vector<128x128xf32>
    %swap3A_900 = vector.shape_cast %dot_general3A_894 : vector<128x128xf32> to vector<1x128x128xf32>
    tpu.vector_store %arg3[%swap3A_895, %swap3A_896, %swap3A_897], %swap3A_900 {strides = array<i32>} : memref<4x4096x128xf32, #tpu.memory_space<vmem>>, vector<1x128x128xf32>,
    %slice3A_901 = vector.extract_strided_slice %get3A_882 {offsets = [4, 0], sizes = [2, 128], strides = [1, 1]} : vector<64x128xf32> to vector<2x128xf32>
    %dot_general3A_902 = arith.constant dense<0.000000e+00> : vector<128x128xf32>
    %dot_general3A_903 = tpu.matmul %slice3A_901, %get3A_1, %dot_general3A_902 {dimension_numbers = #tpu.dot_dimension_numbers<[0], [0], [1], [1], [0, 1, 1, 1], [], []>, transpose_lhs_hint = false} : vector<2x128xf32>, vector<2x128xf32>, vector<128x128xf32> -> vector<128x128xf32>
    %swap3A_904 = arith.constant 3 : index
    %swap3A_905 = arith.constant 256 : index
    %swap3A_906 = arith.constant 0 : index
    %swap3A_907 = vector.load %arg3[%swap3A_904, %swap3A_905, %swap3A_906] : memref<4x4096x128xf32, #tpu.memory_space<vmem>>, vector<1x128x128xf32>
    %swap3A_908 = vector.shape_cast %swap3A_907 : vector<1x128x128xf32> to vector<128x128xf32>
    %swap3A_909 = vector.shape_cast %dot_general3A_903 : vector<128x128xf32> to vector<1x128x128xf32>
    tpu.vector_store %arg3[%swap3A_904, %swap3A_905, %swap3A_906], %swap3A_909 {strides = array<i32>} : memref<4x4096x128xf32, #tpu.memory_space<vmem>>, vector<1x128x128xf32>,
    %slice3A_910 = vector.extract_strided_slice %get3A_882 {offsets = [6, 0], sizes = [2, 128], strides = [1, 1]} : vector<64x128xf32> to vector<2x128xf32>
    %dot_general3A_911 = arith.constant dense<0.000000e+00> : vector<128x128xf32>
    %dot_general3A_912 = tpu.matmul %slice3A_910, %get3A_1, %dot_general3A_911 {dimension_numbers = #tpu.dot_dimension_numbers<[0], [0], [1], [1], [0, 1, 1, 1], [], []>, transpose_lhs_hint = false} : vector<2x128xf32>, vector<2x128xf32>, vector<128x128xf32> -> vector<128x128xf32>
    %swap3A_913 = arith.constant 3 : index
    %swap3A_914 = arith.constant 384 : index
    %swap3A_915 = arith.constant 0 : index
    %swap3A_916 = vector.load %arg3[%swap3A_913, %swap3A_914, %swap3A_915] : memref<4x4096x128xf32, #tpu.memory_space<vmem>>, vector<1x128x128xf32>
    %swap3A_917 = vector.shape_cast %swap3A_916 : vector<1x128x128xf32> to vector<128x128xf32>
    %swap3A_918 = vector.shape_cast %dot_general3A_912 : vector<128x128xf32> to vector<1x128x128xf32>
    tpu.vector_store %arg3[%swap3A_913, %swap3A_914, %swap3A_915], %swap3A_918 {strides = array<i32>} : memref<4x4096x128xf32, #tpu.memory_space<vmem>>, vector<1x128x128xf32>,
    %slice3A_919 = vector.extract_strided_slice %get3A_882 {offsets = [8, 0], sizes = [2, 128], strides = [1, 1]} : vector<64x128xf32> to vector<2x128xf32>
    %dot_general3A_920 = arith.constant dense<0.000000e+00> : vector<128x128xf32>
    %dot_general3A_921 = tpu.matmul %slice3A_919, %get3A_1, %dot_general3A_920 {dimension_numbers = #tpu.dot_dimension_numbers<[0], [0], [1], [1], [0, 1, 1, 1], [], []>, transpose_lhs_hint = false} : vector<2x128xf32>, vector<2x128xf32>, vector<128x128xf32> -> vector<128x128xf32>
    %swap3A_922 = arith.constant 3 : index
    %swap3A_923 = arith.constant 512 : index
    %swap3A_924 = arith.constant 0 : index
    %swap3A_925 = vector.load %arg3[%swap3A_922, %swap3A_923, %swap3A_924] : memref<4x4096x128xf32, #tpu.memory_space<vmem>>, vector<1x128x128xf32>
    %swap3A_926 = vector.shape_cast %swap3A_925 : vector<1x128x128xf32> to vector<128x128xf32>
    %swap3A_927 = vector.shape_cast %dot_general3A_921 : vector<128x128xf32> to vector<1x128x128xf32>
    tpu.vector_store %arg3[%swap3A_922, %swap3A_923, %swap3A_924], %swap3A_927 {strides = array<i32>} : memref<4x4096x128xf32, #tpu.memory_space<vmem>>, vector<1x128x128xf32>,
    %slice3A_928 = vector.extract_strided_slice %get3A_882 {offsets = [10, 0], sizes = [2, 128], strides = [1, 1]} : vector<64x128xf32> to vector<2x128xf32>
    %dot_general3A_929 = arith.constant dense<0.000000e+00> : vector<128x128xf32>
    %dot_general3A_930 = tpu.matmul %slice3A_928, %get3A_1, %dot_general3A_929 {dimension_numbers = #tpu.dot_dimension_numbers<[0], [0], [1], [1], [0, 1, 1, 1], [], []>, transpose_lhs_hint = false} : vector<2x128xf32>, vector<2x128xf32>, vector<128x128xf32> -> vector<128x128xf32>
    %swap3A_931 = arith.constant 3 : index
    %swap3A_932 = arith.constant 640 : index
    %swap3A_933 = arith.constant 0 : index
    %swap3A_934 = vector.load %arg3[%swap3A_931, %swap3A_932, %swap3A_933] : memref<4x4096x128xf32, #tpu.memory_space<vmem>>, vector<1x128x128xf32>
    %swap3A_935 = vector.shape_cast %swap3A_934 : vector<1x128x128xf32> to vector<128x128xf32>
    %swap3A_936 = vector.shape_cast %dot_general3A_930 : vector<128x128xf32> to vector<1x128x128xf32>
    tpu.vector_store %arg3[%swap3A_931, %swap3A_932, %swap3A_933], %swap3A_936 {strides = array<i32>} : memref<4x4096x128xf32, #tpu.memory_space<vmem>>, vector<1x128x128xf32>,
    %slice3A_937 = vector.extract_strided_slice %get3A_882 {offsets = [12, 0], sizes = [2, 128], strides = [1, 1]} : vector<64x128xf32> to vector<2x128xf32>
    %dot_general3A_938 = arith.constant dense<0.000000e+00> : vector<128x128xf32>
    %dot_general3A_939 = tpu.matmul %slice3A_937, %get3A_1, %dot_general3A_938 {dimension_numbers = #tpu.dot_dimension_numbers<[0], [0], [1], [1], [0, 1, 1, 1], [], []>, transpose_lhs_hint = false} : vector<2x128xf32>, vector<2x128xf32>, vector<128x128xf32> -> vector<128x128xf32>
    %swap3A_940 = arith.constant 3 : index
    %swap3A_941 = arith.constant 768 : index
    %swap3A_942 = arith.constant 0 : index
    %swap3A_943 = vector.load %arg3[%swap3A_940, %swap3A_941, %swap3A_942] : memref<4x4096x128xf32, #tpu.memory_space<vmem>>, vector<1x128x128xf32>
    %swap3A_944 = vector.shape_cast %swap3A_943 : vector<1x128x128xf32> to vector<128x128xf32>
    %swap3A_945 = vector.shape_cast %dot_general3A_939 : vector<128x128xf32> to vector<1x128x128xf32>
    tpu.vector_store %arg3[%swap3A_940, %swap3A_941, %swap3A_942], %swap3A_945 {strides = array<i32>} : memref<4x4096x128xf32, #tpu.memory_space<vmem>>, vector<1x128x128xf32>,
    %slice3A_946 = vector.extract_strided_slice %get3A_882 {offsets = [14, 0], sizes = [2, 128], strides = [1, 1]} : vector<64x128xf32> to vector<2x128xf32>
    %dot_general3A_947 = arith.constant dense<0.000000e+00> : vector<128x128xf32>
    %dot_general3A_948 = tpu.matmul %slice3A_946, %get3A_1, %dot_general3A_947 {dimension_numbers = #tpu.dot_dimension_numbers<[0], [0], [1], [1], [0, 1, 1, 1], [], []>, transpose_lhs_hint = false} : vector<2x128xf32>, vector<2x128xf32>, vector<128x128xf32> -> vector<128x128xf32>
    %swap3A_949 = arith.constant 3 : index
    %swap3A_950 = arith.constant 896 : index
    %swap3A_951 = arith.constant 0 : index
    %swap3A_952 = vector.load %arg3[%swap3A_949, %swap3A_950, %swap3A_951] : memref<4x4096x128xf32, #tpu.memory_space<vmem>>, vector<1x128x128xf32>
    %swap3A_953 = vector.shape_cast %swap3A_952 : vector<1x128x128xf32> to vector<128x128xf32>
    %swap3A_954 = vector.shape_cast %dot_general3A_948 : vector<128x128xf32> to vector<1x128x128xf32>
    tpu.vector_store %arg3[%swap3A_949, %swap3A_950, %swap3A_951], %swap3A_954 {strides = array<i32>} : memref<4x4096x128xf32, #tpu.memory_space<vmem>>, vector<1x128x128xf32>,
    %slice3A_955 = vector.extract_strided_slice %get3A_882 {offsets = [16, 0], sizes = [2, 128], strides = [1, 1]} : vector<64x128xf32> to vector<2x128xf32>
    %dot_general3A_956 = arith.constant dense<0.000000e+00> : vector<128x128xf32>
    %dot_general3A_957 = tpu.matmul %slice3A_955, %get3A_1, %dot_general3A_956 {dimension_numbers = #tpu.dot_dimension_numbers<[0], [0], [1], [1], [0, 1, 1, 1], [], []>, transpose_lhs_hint = false} : vector<2x128xf32>, vector<2x128xf32>, vector<128x128xf32> -> vector<128x128xf32>
    %swap3A_958 = arith.constant 3 : index
    %swap3A_959 = arith.constant 1024 : index
    %swap3A_960 = arith.constant 0 : index
    %swap3A_961 = vector.load %arg3[%swap3A_958, %swap3A_959, %swap3A_960] : memref<4x4096x128xf32, #tpu.memory_space<vmem>>, vector<1x128x128xf32>
    %swap3A_962 = vector.shape_cast %swap3A_961 : vector<1x128x128xf32> to vector<128x128xf32>
    %swap3A_963 = vector.shape_cast %dot_general3A_957 : vector<128x128xf32> to vector<1x128x128xf32>
    tpu.vector_store %arg3[%swap3A_958, %swap3A_959, %swap3A_960], %swap3A_963 {strides = array<i32>} : memref<4x4096x128xf32, #tpu.memory_space<vmem>>, vector<1x128x128xf32>,
    %slice3A_964 = vector.extract_strided_slice %get3A_882 {offsets = [18, 0], sizes = [2, 128], strides = [1, 1]} : vector<64x128xf32> to vector<2x128xf32>
    %dot_general3A_965 = arith.constant dense<0.000000e+00> : vector<128x128xf32>
    %dot_general3A_966 = tpu.matmul %slice3A_964, %get3A_1, %dot_general3A_965 {dimension_numbers = #tpu.dot_dimension_numbers<[0], [0], [1], [1], [0, 1, 1, 1], [], []>, transpose_lhs_hint = false} : vector<2x128xf32>, vector<2x128xf32>, vector<128x128xf32> -> vector<128x128xf32>
    %swap3A_967 = arith.constant 3 : index
    %swap3A_968 = arith.constant 1152 : index
    %swap3A_969 = arith.constant 0 : index
    %swap3A_970 = vector.load %arg3[%swap3A_967, %swap3A_968, %swap3A_969] : memref<4x4096x128xf32, #tpu.memory_space<vmem>>, vector<1x128x128xf32>
    %swap3A_971 = vector.shape_cast %swap3A_970 : vector<1x128x128xf32> to vector<128x128xf32>
    %swap3A_972 = vector.shape_cast %dot_general3A_966 : vector<128x128xf32> to vector<1x128x128xf32>
    tpu.vector_store %arg3[%swap3A_967, %swap3A_968, %swap3A_969], %swap3A_972 {strides = array<i32>} : memref<4x4096x128xf32, #tpu.memory_space<vmem>>, vector<1x128x128xf32>,
    %slice3A_973 = vector.extract_strided_slice %get3A_882 {offsets = [20, 0], sizes = [2, 128], strides = [1, 1]} : vector<64x128xf32> to vector<2x128xf32>
    %dot_general3A_974 = arith.constant dense<0.000000e+00> : vector<128x128xf32>
    %dot_general3A_975 = tpu.matmul %slice3A_973, %get3A_1, %dot_general3A_974 {dimension_numbers = #tpu.dot_dimension_numbers<[0], [0], [1], [1], [0, 1, 1, 1], [], []>, transpose_lhs_hint = false} : vector<2x128xf32>, vector<2x128xf32>, vector<128x128xf32> -> vector<128x128xf32>
    %swap3A_976 = arith.constant 3 : index
    %swap3A_977 = arith.constant 1280 : index
    %swap3A_978 = arith.constant 0 : index
    %swap3A_979 = vector.load %arg3[%swap3A_976, %swap3A_977, %swap3A_978] : memref<4x4096x128xf32, #tpu.memory_space<vmem>>, vector<1x128x128xf32>
    %swap3A_980 = vector.shape_cast %swap3A_979 : vector<1x128x128xf32> to vector<128x128xf32>
    %swap3A_981 = vector.shape_cast %dot_general3A_975 : vector<128x128xf32> to vector<1x128x128xf32>
    tpu.vector_store %arg3[%swap3A_976, %swap3A_977, %swap3A_978], %swap3A_981 {strides = array<i32>} : memref<4x4096x128xf32, #tpu.memory_space<vmem>>, vector<1x128x128xf32>,
    %slice3A_982 = vector.extract_strided_slice %get3A_882 {offsets = [22, 0], sizes = [2, 128], strides = [1, 1]} : vector<64x128xf32> to vector<2x128xf32>
    %dot_general3A_983 = arith.constant dense<0.000000e+00> : vector<128x128xf32>
    %dot_general3A_984 = tpu.matmul %slice3A_982, %get3A_1, %dot_general3A_983 {dimension_numbers = #tpu.dot_dimension_numbers<[0], [0], [1], [1], [0, 1, 1, 1], [], []>, transpose_lhs_hint = false} : vector<2x128xf32>, vector<2x128xf32>, vector<128x128xf32> -> vector<128x128xf32>
    %swap3A_985 = arith.constant 3 : index
    %swap3A_986 = arith.constant 1408 : index
    %swap3A_987 = arith.constant 0 : index
    %swap3A_988 = vector.load %arg3[%swap3A_985, %swap3A_986, %swap3A_987] : memref<4x4096x128xf32, #tpu.memory_space<vmem>>, vector<1x128x128xf32>
    %swap3A_989 = vector.shape_cast %swap3A_988 : vector<1x128x128xf32> to vector<128x128xf32>
    %swap3A_990 = vector.shape_cast %dot_general3A_984 : vector<128x128xf32> to vector<1x128x128xf32>
    tpu.vector_store %arg3[%swap3A_985, %swap3A_986, %swap3A_987], %swap3A_990 {strides = array<i32>} : memref<4x4096x128xf32, #tpu.memory_space<vmem>>, vector<1x128x128xf32>,
    %slice3A_991 = vector.extract_strided_slice %get3A_882 {offsets = [24, 0], sizes = [2, 128], strides = [1, 1]} : vector<64x128xf32> to vector<2x128xf32>
    %dot_general3A_992 = arith.constant dense<0.000000e+00> : vector<128x128xf32>
    %dot_general3A_993 = tpu.matmul %slice3A_991, %get3A_1, %dot_general3A_992 {dimension_numbers = #tpu.dot_dimension_numbers<[0], [0], [1], [1], [0, 1, 1, 1], [], []>, transpose_lhs_hint = false} : vector<2x128xf32>, vector<2x128xf32>, vector<128x128xf32> -> vector<128x128xf32>
    %swap3A_994 = arith.constant 3 : index
    %swap3A_995 = arith.constant 1536 : index
    %swap3A_996 = arith.constant 0 : index
    %swap3A_997 = vector.load %arg3[%swap3A_994, %swap3A_995, %swap3A_996] : memref<4x4096x128xf32, #tpu.memory_space<vmem>>, vector<1x128x128xf32>
    %swap3A_998 = vector.shape_cast %swap3A_997 : vector<1x128x128xf32> to vector<128x128xf32>
    %swap3A_999 = vector.shape_cast %dot_general3A_993 : vector<128x128xf32> to vector<1x128x128xf32>
    tpu.vector_store %arg3[%swap3A_994, %swap3A_995, %swap3A_996], %swap3A_999 {strides = array<i32>} : memref<4x4096x128xf32, #tpu.memory_space<vmem>>, vector<1x128x128xf32>,
    %slice3A_1000 = vector.extract_strided_slice %get3A_882 {offsets = [26, 0], sizes = [2, 128], strides = [1, 1]} : vector<64x128xf32> to vector<2x128xf32>
    %dot_general3A_1001 = arith.constant dense<0.000000e+00> : vector<128x128xf32>
    %dot_general3A_1002 = tpu.matmul %slice3A_1000, %get3A_1, %dot_general3A_1001 {dimension_numbers = #tpu.dot_dimension_numbers<[0], [0], [1], [1], [0, 1, 1, 1], [], []>, transpose_lhs_hint = false} : vector<2x128xf32>, vector<2x128xf32>, vector<128x128xf32> -> vector<128x128xf32>
    %swap3A_1003 = arith.constant 3 : index
    %swap3A_1004 = arith.constant 1664 : index
    %swap3A_1005 = arith.constant 0 : index
    %swap3A_1006 = vector.load %arg3[%swap3A_1003, %swap3A_1004, %swap3A_1005] : memref<4x4096x128xf32, #tpu.memory_space<vmem>>, vector<1x128x128xf32>
    %swap3A_1007 = vector.shape_cast %swap3A_1006 : vector<1x128x128xf32> to vector<128x128xf32>
    %swap3A_1008 = vector.shape_cast %dot_general3A_1002 : vector<128x128xf32> to vector<1x128x128xf32>
    tpu.vector_store %arg3[%swap3A_1003, %swap3A_1004, %swap3A_1005], %swap3A_1008 {strides = array<i32>} : memref<4x4096x128xf32, #tpu.memory_space<vmem>>, vector<1x128x128xf32>,
    %slice3A_1009 = vector.extract_strided_slice %get3A_882 {offsets = [28, 0], sizes = [2, 128], strides = [1, 1]} : vector<64x128xf32> to vector<2x128xf32>
    %dot_general3A_1010 = arith.constant dense<0.000000e+00> : vector<128x128xf32>
    %dot_general3A_1011 = tpu.matmul %slice3A_1009, %get3A_1, %dot_general3A_1010 {dimension_numbers = #tpu.dot_dimension_numbers<[0], [0], [1], [1], [0, 1, 1, 1], [], []>, transpose_lhs_hint = false} : vector<2x128xf32>, vector<2x128xf32>, vector<128x128xf32> -> vector<128x128xf32>
    %swap3A_1012 = arith.constant 3 : index
    %swap3A_1013 = arith.constant 1792 : index
    %swap3A_1014 = arith.constant 0 : index
    %swap3A_1015 = vector.load %arg3[%swap3A_1012, %swap3A_1013, %swap3A_1014] : memref<4x4096x128xf32, #tpu.memory_space<vmem>>, vector<1x128x128xf32>
    %swap3A_1016 = vector.shape_cast %swap3A_1015 : vector<1x128x128xf32> to vector<128x128xf32>
    %swap3A_1017 = vector.shape_cast %dot_general3A_1011 : vector<128x128xf32> to vector<1x128x128xf32>
    tpu.vector_store %arg3[%swap3A_1012, %swap3A_1013, %swap3A_1014], %swap3A_1017 {strides = array<i32>} : memref<4x4096x128xf32, #tpu.memory_space<vmem>>, vector<1x128x128xf32>,
    %slice3A_1018 = vector.extract_strided_slice %get3A_882 {offsets = [30, 0], sizes = [2, 128], strides = [1, 1]} : vector<64x128xf32> to vector<2x128xf32>
    %dot_general3A_1019 = arith.constant dense<0.000000e+00> : vector<128x128xf32>
    %dot_general3A_1020 = tpu.matmul %slice3A_1018, %get3A_1, %dot_general3A_1019 {dimension_numbers = #tpu.dot_dimension_numbers<[0], [0], [1], [1], [0, 1, 1, 1], [], []>, transpose_lhs_hint = false} : vector<2x128xf32>, vector<2x128xf32>, vector<128x128xf32> -> vector<128x128xf32>
    %swap3A_1021 = arith.constant 3 : index
    %swap3A_1022 = arith.constant 1920 : index
    %swap3A_1023 = arith.constant 0 : index
    %swap3A_1024 = vector.load %arg3[%swap3A_1021, %swap3A_1022, %swap3A_1023] : memref<4x4096x128xf32, #tpu.memory_space<vmem>>, vector<1x128x128xf32>
    %swap3A_1025 = vector.shape_cast %swap3A_1024 : vector<1x128x128xf32> to vector<128x128xf32>
    %swap3A_1026 = vector.shape_cast %dot_general3A_1020 : vector<128x128xf32> to vector<1x128x128xf32>
    tpu.vector_store %arg3[%swap3A_1021, %swap3A_1022, %swap3A_1023], %swap3A_1026 {strides = array<i32>} : memref<4x4096x128xf32, #tpu.memory_space<vmem>>, vector<1x128x128xf32>,
    %slice3A_1027 = vector.extract_strided_slice %get3A_882 {offsets = [32, 0], sizes = [2, 128], strides = [1, 1]} : vector<64x128xf32> to vector<2x128xf32>
    %dot_general3A_1028 = arith.constant dense<0.000000e+00> : vector<128x128xf32>
    %dot_general3A_1029 = tpu.matmul %slice3A_1027, %get3A_1, %dot_general3A_1028 {dimension_numbers = #tpu.dot_dimension_numbers<[0], [0], [1], [1], [0, 1, 1, 1], [], []>, transpose_lhs_hint = false} : vector<2x128xf32>, vector<2x128xf32>, vector<128x128xf32> -> vector<128x128xf32>
    %swap3A_1030 = arith.constant 3 : index
    %swap3A_1031 = arith.constant 2048 : index
    %swap3A_1032 = arith.constant 0 : index
    %swap3A_1033 = vector.load %arg3[%swap3A_1030, %swap3A_1031, %swap3A_1032] : memref<4x4096x128xf32, #tpu.memory_space<vmem>>, vector<1x128x128xf32>
    %swap3A_1034 = vector.shape_cast %swap3A_1033 : vector<1x128x128xf32> to vector<128x128xf32>
    %swap3A_1035 = vector.shape_cast %dot_general3A_1029 : vector<128x128xf32> to vector<1x128x128xf32>
    tpu.vector_store %arg3[%swap3A_1030, %swap3A_1031, %swap3A_1032], %swap3A_1035 {strides = array<i32>} : memref<4x4096x128xf32, #tpu.memory_space<vmem>>, vector<1x128x128xf32>,
    %slice3A_1036 = vector.extract_strided_slice %get3A_882 {offsets = [34, 0], sizes = [2, 128], strides = [1, 1]} : vector<64x128xf32> to vector<2x128xf32>
    %dot_general3A_1037 = arith.constant dense<0.000000e+00> : vector<128x128xf32>
    %dot_general3A_1038 = tpu.matmul %slice3A_1036, %get3A_1, %dot_general3A_1037 {dimension_numbers = #tpu.dot_dimension_numbers<[0], [0], [1], [1], [0, 1, 1, 1], [], []>, transpose_lhs_hint = false} : vector<2x128xf32>, vector<2x128xf32>, vector<128x128xf32> -> vector<128x128xf32>
    %swap3A_1039 = arith.constant 3 : index
    %swap3A_1040 = arith.constant 2176 : index
    %swap3A_1041 = arith.constant 0 : index
    %swap3A_1042 = vector.load %arg3[%swap3A_1039, %swap3A_1040, %swap3A_1041] : memref<4x4096x128xf32, #tpu.memory_space<vmem>>, vector<1x128x128xf32>
    %swap3A_1043 = vector.shape_cast %swap3A_1042 : vector<1x128x128xf32> to vector<128x128xf32>
    %swap3A_1044 = vector.shape_cast %dot_general3A_1038 : vector<128x128xf32> to vector<1x128x128xf32>
    tpu.vector_store %arg3[%swap3A_1039, %swap3A_1040, %swap3A_1041], %swap3A_1044 {strides = array<i32>} : memref<4x4096x128xf32, #tpu.memory_space<vmem>>, vector<1x128x128xf32>,
    %slice3A_1045 = vector.extract_strided_slice %get3A_882 {offsets = [36, 0], sizes = [2, 128], strides = [1, 1]} : vector<64x128xf32> to vector<2x128xf32>
    %dot_general3A_1046 = arith.constant dense<0.000000e+00> : vector<128x128xf32>
    %dot_general3A_1047 = tpu.matmul %slice3A_1045, %get3A_1, %dot_general3A_1046 {dimension_numbers = #tpu.dot_dimension_numbers<[0], [0], [1], [1], [0, 1, 1, 1], [], []>, transpose_lhs_hint = false} : vector<2x128xf32>, vector<2x128xf32>, vector<128x128xf32> -> vector<128x128xf32>
    %swap3A_1048 = arith.constant 3 : index
    %swap3A_1049 = arith.constant 2304 : index
    %swap3A_1050 = arith.constant 0 : index
    %swap3A_1051 = vector.load %arg3[%swap3A_1048, %swap3A_1049, %swap3A_1050] : memref<4x4096x128xf32, #tpu.memory_space<vmem>>, vector<1x128x128xf32>
    %swap3A_1052 = vector.shape_cast %swap3A_1051 : vector<1x128x128xf32> to vector<128x128xf32>
    %swap3A_1053 = vector.shape_cast %dot_general3A_1047 : vector<128x128xf32> to vector<1x128x128xf32>
    tpu.vector_store %arg3[%swap3A_1048, %swap3A_1049, %swap3A_1050], %swap3A_1053 {strides = array<i32>} : memref<4x4096x128xf32, #tpu.memory_space<vmem>>, vector<1x128x128xf32>,
    %slice3A_1054 = vector.extract_strided_slice %get3A_882 {offsets = [38, 0], sizes = [2, 128], strides = [1, 1]} : vector<64x128xf32> to vector<2x128xf32>
    %dot_general3A_1055 = arith.constant dense<0.000000e+00> : vector<128x128xf32>
    %dot_general3A_1056 = tpu.matmul %slice3A_1054, %get3A_1, %dot_general3A_1055 {dimension_numbers = #tpu.dot_dimension_numbers<[0], [0], [1], [1], [0, 1, 1, 1], [], []>, transpose_lhs_hint = false} : vector<2x128xf32>, vector<2x128xf32>, vector<128x128xf32> -> vector<128x128xf32>
    %swap3A_1057 = arith.constant 3 : index
    %swap3A_1058 = arith.constant 2432 : index
    %swap3A_1059 = arith.constant 0 : index
    %swap3A_1060 = vector.load %arg3[%swap3A_1057, %swap3A_1058, %swap3A_1059] : memref<4x4096x128xf32, #tpu.memory_space<vmem>>, vector<1x128x128xf32>
    %swap3A_1061 = vector.shape_cast %swap3A_1060 : vector<1x128x128xf32> to vector<128x128xf32>
    %swap3A_1062 = vector.shape_cast %dot_general3A_1056 : vector<128x128xf32> to vector<1x128x128xf32>
    tpu.vector_store %arg3[%swap3A_1057, %swap3A_1058, %swap3A_1059], %swap3A_1062 {strides = array<i32>} : memref<4x4096x128xf32, #tpu.memory_space<vmem>>, vector<1x128x128xf32>,
    %slice3A_1063 = vector.extract_strided_slice %get3A_882 {offsets = [40, 0], sizes = [2, 128], strides = [1, 1]} : vector<64x128xf32> to vector<2x128xf32>
    %dot_general3A_1064 = arith.constant dense<0.000000e+00> : vector<128x128xf32>
    %dot_general3A_1065 = tpu.matmul %slice3A_1063, %get3A_1, %dot_general3A_1064 {dimension_numbers = #tpu.dot_dimension_numbers<[0], [0], [1], [1], [0, 1, 1, 1], [], []>, transpose_lhs_hint = false} : vector<2x128xf32>, vector<2x128xf32>, vector<128x128xf32> -> vector<128x128xf32>
    %swap3A_1066 = arith.constant 3 : index
    %swap3A_1067 = arith.constant 2560 : index
    %swap3A_1068 = arith.constant 0 : index
    %swap3A_1069 = vector.load %arg3[%swap3A_1066, %swap3A_1067, %swap3A_1068] : memref<4x4096x128xf32, #tpu.memory_space<vmem>>, vector<1x128x128xf32>
    %swap3A_1070 = vector.shape_cast %swap3A_1069 : vector<1x128x128xf32> to vector<128x128xf32>
    %swap3A_1071 = vector.shape_cast %dot_general3A_1065 : vector<128x128xf32> to vector<1x128x128xf32>
    tpu.vector_store %arg3[%swap3A_1066, %swap3A_1067, %swap3A_1068], %swap3A_1071 {strides = array<i32>} : memref<4x4096x128xf32, #tpu.memory_space<vmem>>, vector<1x128x128xf32>,
    %slice3A_1072 = vector.extract_strided_slice %get3A_882 {offsets = [42, 0], sizes = [2, 128], strides = [1, 1]} : vector<64x128xf32> to vector<2x128xf32>
    %dot_general3A_1073 = arith.constant dense<0.000000e+00> : vector<128x128xf32>
    %dot_general3A_1074 = tpu.matmul %slice3A_1072, %get3A_1, %dot_general3A_1073 {dimension_numbers = #tpu.dot_dimension_numbers<[0], [0], [1], [1], [0, 1, 1, 1], [], []>, transpose_lhs_hint = false} : vector<2x128xf32>, vector<2x128xf32>, vector<128x128xf32> -> vector<128x128xf32>
    %swap3A_1075 = arith.constant 3 : index
    %swap3A_1076 = arith.constant 2688 : index
    %swap3A_1077 = arith.constant 0 : index
    %swap3A_1078 = vector.load %arg3[%swap3A_1075, %swap3A_1076, %swap3A_1077] : memref<4x4096x128xf32, #tpu.memory_space<vmem>>, vector<1x128x128xf32>
    %swap3A_1079 = vector.shape_cast %swap3A_1078 : vector<1x128x128xf32> to vector<128x128xf32>
    %swap3A_1080 = vector.shape_cast %dot_general3A_1074 : vector<128x128xf32> to vector<1x128x128xf32>
    tpu.vector_store %arg3[%swap3A_1075, %swap3A_1076, %swap3A_1077], %swap3A_1080 {strides = array<i32>} : memref<4x4096x128xf32, #tpu.memory_space<vmem>>, vector<1x128x128xf32>,
    %slice3A_1081 = vector.extract_strided_slice %get3A_882 {offsets = [44, 0], sizes = [2, 128], strides = [1, 1]} : vector<64x128xf32> to vector<2x128xf32>
    %dot_general3A_1082 = arith.constant dense<0.000000e+00> : vector<128x128xf32>
    %dot_general3A_1083 = tpu.matmul %slice3A_1081, %get3A_1, %dot_general3A_1082 {dimension_numbers = #tpu.dot_dimension_numbers<[0], [0], [1], [1], [0, 1, 1, 1], [], []>, transpose_lhs_hint = false} : vector<2x128xf32>, vector<2x128xf32>, vector<128x128xf32> -> vector<128x128xf32>
    %swap3A_1084 = arith.constant 3 : index
    %swap3A_1085 = arith.constant 2816 : index
    %swap3A_1086 = arith.constant 0 : index
    %swap3A_1087 = vector.load %arg3[%swap3A_1084, %swap3A_1085, %swap3A_1086] : memref<4x4096x128xf32, #tpu.memory_space<vmem>>, vector<1x128x128xf32>
    %swap3A_1088 = vector.shape_cast %swap3A_1087 : vector<1x128x128xf32> to vector<128x128xf32>
    %swap3A_1089 = vector.shape_cast %dot_general3A_1083 : vector<128x128xf32> to vector<1x128x128xf32>
    tpu.vector_store %arg3[%swap3A_1084, %swap3A_1085, %swap3A_1086], %swap3A_1089 {strides = array<i32>} : memref<4x4096x128xf32, #tpu.memory_space<vmem>>, vector<1x128x128xf32>,
    %slice3A_1090 = vector.extract_strided_slice %get3A_882 {offsets = [46, 0], sizes = [2, 128], strides = [1, 1]} : vector<64x128xf32> to vector<2x128xf32>
    %dot_general3A_1091 = arith.constant dense<0.000000e+00> : vector<128x128xf32>
    %dot_general3A_1092 = tpu.matmul %slice3A_1090, %get3A_1, %dot_general3A_1091 {dimension_numbers = #tpu.dot_dimension_numbers<[0], [0], [1], [1], [0, 1, 1, 1], [], []>, transpose_lhs_hint = false} : vector<2x128xf32>, vector<2x128xf32>, vector<128x128xf32> -> vector<128x128xf32>
    %swap3A_1093 = arith.constant 3 : index
    %swap3A_1094 = arith.constant 2944 : index
    %swap3A_1095 = arith.constant 0 : index
    %swap3A_1096 = vector.load %arg3[%swap3A_1093, %swap3A_1094, %swap3A_1095] : memref<4x4096x128xf32, #tpu.memory_space<vmem>>, vector<1x128x128xf32>
    %swap3A_1097 = vector.shape_cast %swap3A_1096 : vector<1x128x128xf32> to vector<128x128xf32>
    %swap3A_1098 = vector.shape_cast %dot_general3A_1092 : vector<128x128xf32> to vector<1x128x128xf32>
    tpu.vector_store %arg3[%swap3A_1093, %swap3A_1094, %swap3A_1095], %swap3A_1098 {strides = array<i32>} : memref<4x4096x128xf32, #tpu.memory_space<vmem>>, vector<1x128x128xf32>,
    %slice3A_1099 = vector.extract_strided_slice %get3A_882 {offsets = [48, 0], sizes = [2, 128], strides = [1, 1]} : vector<64x128xf32> to vector<2x128xf32>
    %dot_general3A_1100 = arith.constant dense<0.000000e+00> : vector<128x128xf32>
    %dot_general3A_1101 = tpu.matmul %slice3A_1099, %get3A_1, %dot_general3A_1100 {dimension_numbers = #tpu.dot_dimension_numbers<[0], [0], [1], [1], [0, 1, 1, 1], [], []>, transpose_lhs_hint = false} : vector<2x128xf32>, vector<2x128xf32>, vector<128x128xf32> -> vector<128x128xf32>
    %swap3A_1102 = arith.constant 3 : index
    %swap3A_1103 = arith.constant 3072 : index
    %swap3A_1104 = arith.constant 0 : index
    %swap3A_1105 = vector.load %arg3[%swap3A_1102, %swap3A_1103, %swap3A_1104] : memref<4x4096x128xf32, #tpu.memory_space<vmem>>, vector<1x128x128xf32>
    %swap3A_1106 = vector.shape_cast %swap3A_1105 : vector<1x128x128xf32> to vector<128x128xf32>
    %swap3A_1107 = vector.shape_cast %dot_general3A_1101 : vector<128x128xf32> to vector<1x128x128xf32>
    tpu.vector_store %arg3[%swap3A_1102, %swap3A_1103, %swap3A_1104], %swap3A_1107 {strides = array<i32>} : memref<4x4096x128xf32, #tpu.memory_space<vmem>>, vector<1x128x128xf32>,
    %slice3A_1108 = vector.extract_strided_slice %get3A_882 {offsets = [50, 0], sizes = [2, 128], strides = [1, 1]} : vector<64x128xf32> to vector<2x128xf32>
    %dot_general3A_1109 = arith.constant dense<0.000000e+00> : vector<128x128xf32>
    %dot_general3A_1110 = tpu.matmul %slice3A_1108, %get3A_1, %dot_general3A_1109 {dimension_numbers = #tpu.dot_dimension_numbers<[0], [0], [1], [1], [0, 1, 1, 1], [], []>, transpose_lhs_hint = false} : vector<2x128xf32>, vector<2x128xf32>, vector<128x128xf32> -> vector<128x128xf32>
    %swap3A_1111 = arith.constant 3 : index
    %swap3A_1112 = arith.constant 3200 : index
    %swap3A_1113 = arith.constant 0 : index
    %swap3A_1114 = vector.load %arg3[%swap3A_1111, %swap3A_1112, %swap3A_1113] : memref<4x4096x128xf32, #tpu.memory_space<vmem>>, vector<1x128x128xf32>
    %swap3A_1115 = vector.shape_cast %swap3A_1114 : vector<1x128x128xf32> to vector<128x128xf32>
    %swap3A_1116 = vector.shape_cast %dot_general3A_1110 : vector<128x128xf32> to vector<1x128x128xf32>
    tpu.vector_store %arg3[%swap3A_1111, %swap3A_1112, %swap3A_1113], %swap3A_1116 {strides = array<i32>} : memref<4x4096x128xf32, #tpu.memory_space<vmem>>, vector<1x128x128xf32>,
    %slice3A_1117 = vector.extract_strided_slice %get3A_882 {offsets = [52, 0], sizes = [2, 128], strides = [1, 1]} : vector<64x128xf32> to vector<2x128xf32>
    %dot_general3A_1118 = arith.constant dense<0.000000e+00> : vector<128x128xf32>
    %dot_general3A_1119 = tpu.matmul %slice3A_1117, %get3A_1, %dot_general3A_1118 {dimension_numbers = #tpu.dot_dimension_numbers<[0], [0], [1], [1], [0, 1, 1, 1], [], []>, transpose_lhs_hint = false} : vector<2x128xf32>, vector<2x128xf32>, vector<128x128xf32> -> vector<128x128xf32>
    %swap3A_1120 = arith.constant 3 : index
    %swap3A_1121 = arith.constant 3328 : index
    %swap3A_1122 = arith.constant 0 : index
    %swap3A_1123 = vector.load %arg3[%swap3A_1120, %swap3A_1121, %swap3A_1122] : memref<4x4096x128xf32, #tpu.memory_space<vmem>>, vector<1x128x128xf32>
    %swap3A_1124 = vector.shape_cast %swap3A_1123 : vector<1x128x128xf32> to vector<128x128xf32>
    %swap3A_1125 = vector.shape_cast %dot_general3A_1119 : vector<128x128xf32> to vector<1x128x128xf32>
    tpu.vector_store %arg3[%swap3A_1120, %swap3A_1121, %swap3A_1122], %swap3A_1125 {strides = array<i32>} : memref<4x4096x128xf32, #tpu.memory_space<vmem>>, vector<1x128x128xf32>,
    %slice3A_1126 = vector.extract_strided_slice %get3A_882 {offsets = [54, 0], sizes = [2, 128], strides = [1, 1]} : vector<64x128xf32> to vector<2x128xf32>
    %dot_general3A_1127 = arith.constant dense<0.000000e+00> : vector<128x128xf32>
    %dot_general3A_1128 = tpu.matmul %slice3A_1126, %get3A_1, %dot_general3A_1127 {dimension_numbers = #tpu.dot_dimension_numbers<[0], [0], [1], [1], [0, 1, 1, 1], [], []>, transpose_lhs_hint = false} : vector<2x128xf32>, vector<2x128xf32>, vector<128x128xf32> -> vector<128x128xf32>
    %swap3A_1129 = arith.constant 3 : index
    %swap3A_1130 = arith.constant 3456 : index
    %swap3A_1131 = arith.constant 0 : index
    %swap3A_1132 = vector.load %arg3[%swap3A_1129, %swap3A_1130, %swap3A_1131] : memref<4x4096x128xf32, #tpu.memory_space<vmem>>, vector<1x128x128xf32>
    %swap3A_1133 = vector.shape_cast %swap3A_1132 : vector<1x128x128xf32> to vector<128x128xf32>
    %swap3A_1134 = vector.shape_cast %dot_general3A_1128 : vector<128x128xf32> to vector<1x128x128xf32>
    tpu.vector_store %arg3[%swap3A_1129, %swap3A_1130, %swap3A_1131], %swap3A_1134 {strides = array<i32>} : memref<4x4096x128xf32, #tpu.memory_space<vmem>>, vector<1x128x128xf32>,
    %slice3A_1135 = vector.extract_strided_slice %get3A_882 {offsets = [56, 0], sizes = [2, 128], strides = [1, 1]} : vector<64x128xf32> to vector<2x128xf32>
    %dot_general3A_1136 = arith.constant dense<0.000000e+00> : vector<128x128xf32>
    %dot_general3A_1137 = tpu.matmul %slice3A_1135, %get3A_1, %dot_general3A_1136 {dimension_numbers = #tpu.dot_dimension_numbers<[0], [0], [1], [1], [0, 1, 1, 1], [], []>, transpose_lhs_hint = false} : vector<2x128xf32>, vector<2x128xf32>, vector<128x128xf32> -> vector<128x128xf32>
    %swap3A_1138 = arith.constant 3 : index
    %swap3A_1139 = arith.constant 3584 : index
    %swap3A_1140 = arith.constant 0 : index
    %swap3A_1141 = vector.load %arg3[%swap3A_1138, %swap3A_1139, %swap3A_1140] : memref<4x4096x128xf32, #tpu.memory_space<vmem>>, vector<1x128x128xf32>
    %swap3A_1142 = vector.shape_cast %swap3A_1141 : vector<1x128x128xf32> to vector<128x128xf32>
    %swap3A_1143 = vector.shape_cast %dot_general3A_1137 : vector<128x128xf32> to vector<1x128x128xf32>
    tpu.vector_store %arg3[%swap3A_1138, %swap3A_1139, %swap3A_1140], %swap3A_1143 {strides = array<i32>} : memref<4x4096x128xf32, #tpu.memory_space<vmem>>, vector<1x128x128xf32>,
    %slice3A_1144 = vector.extract_strided_slice %get3A_882 {offsets = [58, 0], sizes = [2, 128], strides = [1, 1]} : vector<64x128xf32> to vector<2x128xf32>
    %dot_general3A_1145 = arith.constant dense<0.000000e+00> : vector<128x128xf32>
    %dot_general3A_1146 = tpu.matmul %slice3A_1144, %get3A_1, %dot_general3A_1145 {dimension_numbers = #tpu.dot_dimension_numbers<[0], [0], [1], [1], [0, 1, 1, 1], [], []>, transpose_lhs_hint = false} : vector<2x128xf32>, vector<2x128xf32>, vector<128x128xf32> -> vector<128x128xf32>
    %swap3A_1147 = arith.constant 3 : index
    %swap3A_1148 = arith.constant 3712 : index
    %swap3A_1149 = arith.constant 0 : index
    %swap3A_1150 = vector.load %arg3[%swap3A_1147, %swap3A_1148, %swap3A_1149] : memref<4x4096x128xf32, #tpu.memory_space<vmem>>, vector<1x128x128xf32>
    %swap3A_1151 = vector.shape_cast %swap3A_1150 : vector<1x128x128xf32> to vector<128x128xf32>
    %swap3A_1152 = vector.shape_cast %dot_general3A_1146 : vector<128x128xf32> to vector<1x128x128xf32>
    tpu.vector_store %arg3[%swap3A_1147, %swap3A_1148, %swap3A_1149], %swap3A_1152 {strides = array<i32>} : memref<4x4096x128xf32, #tpu.memory_space<vmem>>, vector<1x128x128xf32>,
    %slice3A_1153 = vector.extract_strided_slice %get3A_882 {offsets = [60, 0], sizes = [2, 128], strides = [1, 1]} : vector<64x128xf32> to vector<2x128xf32>
    %dot_general3A_1154 = arith.constant dense<0.000000e+00> : vector<128x128xf32>
    %dot_general3A_1155 = tpu.matmul %slice3A_1153, %get3A_1, %dot_general3A_1154 {dimension_numbers = #tpu.dot_dimension_numbers<[0], [0], [1], [1], [0, 1, 1, 1], [], []>, transpose_lhs_hint = false} : vector<2x128xf32>, vector<2x128xf32>, vector<128x128xf32> -> vector<128x128xf32>
    %swap3A_1156 = arith.constant 3 : index
    %swap3A_1157 = arith.constant 3840 : index
    %swap3A_1158 = arith.constant 0 : index
    %swap3A_1159 = vector.load %arg3[%swap3A_1156, %swap3A_1157, %swap3A_1158] : memref<4x4096x128xf32, #tpu.memory_space<vmem>>, vector<1x128x128xf32>
    %swap3A_1160 = vector.shape_cast %swap3A_1159 : vector<1x128x128xf32> to vector<128x128xf32>
    %swap3A_1161 = vector.shape_cast %dot_general3A_1155 : vector<128x128xf32> to vector<1x128x128xf32>
    tpu.vector_store %arg3[%swap3A_1156, %swap3A_1157, %swap3A_1158], %swap3A_1161 {strides = array<i32>} : memref<4x4096x128xf32, #tpu.memory_space<vmem>>, vector<1x128x128xf32>,
    %slice3A_1162 = vector.extract_strided_slice %get3A_882 {offsets = [62, 0], sizes = [2, 128], strides = [1, 1]} : vector<64x128xf32> to vector<2x128xf32>
    %dot_general3A_1163 = arith.constant dense<0.000000e+00> : vector<128x128xf32>
    %dot_general3A_1164 = tpu.matmul %slice3A_1162, %get3A_1, %dot_general3A_1163 {dimension_numbers = #tpu.dot_dimension_numbers<[0], [0], [1], [1], [0, 1, 1, 1], [], []>, transpose_lhs_hint = false} : vector<2x128xf32>, vector<2x128xf32>, vector<128x128xf32> -> vector<128x128xf32>
    %swap3A_1165 = arith.constant 3 : index
    %swap3A_1166 = arith.constant 3968 : index
    %swap3A_1167 = arith.constant 0 : index
    %swap3A_1168 = vector.load %arg3[%swap3A_1165, %swap3A_1166, %swap3A_1167] : memref<4x4096x128xf32, #tpu.memory_space<vmem>>, vector<1x128x128xf32>
    %swap3A_1169 = vector.shape_cast %swap3A_1168 : vector<1x128x128xf32> to vector<128x128xf32>
    %swap3A_1170 = vector.shape_cast %dot_general3A_1164 : vector<128x128xf32> to vector<1x128x128xf32>
    tpu.vector_store %arg3[%swap3A_1165, %swap3A_1166, %swap3A_1167], %swap3A_1170 {strides = array<i32>} : memref<4x4096x128xf32, #tpu.memory_space<vmem>>, vector<1x128x128xf32>,
    return
  }
  func.func @transform_0(%arg0: i32) -> (i32, i32, i32) {
    %c0_i32 = arith.constant 0 : i32
    %c0_i32_0 = arith.constant 0 : i32
    %c0_i32_1 = arith.constant 0 : i32
    return %arg0, %c0_i32, %c0_i32_0 : i32, i32, i32
  }
  func.func @transform_1(%arg0: i32) -> (i32, i32) {
    %c0_i32 = arith.constant 0 : i32
    %c0_i32_0 = arith.constant 0 : i32
    %c0_i32_1 = arith.constant 0 : i32
    return %c0_i32, %c0_i32_0 : i32, i32
  }
  func.func @transform_2(%arg0: i32) -> (i32, i32, i32) {
    %c0_i32 = arith.constant 0 : i32
    %c0_i32_0 = arith.constant 0 : i32
    %c0_i32_1 = arith.constant 0 : i32
    return %arg0, %c0_i32, %c0_i32_0 : i32, i32, i32
  }
}

</mosaic_0001>

<sc_bundles>
// kernel: kernel.4.cloned.1.call-start
scs
__scs_entry_jumppad:
0x0: {  	(pc) =	sbr.rel $0x88, $3  }
0x1: {  	(tag) =	ssettag $0x0;
	lr =	simm.s32 $0x1  }
0x2: {  	[smem:$0x3F9D] =	sst lr;
	_ =	strace $0xD0000000  }
0x3: {  	_ = 	snop  }
0x4: {  	_ = 	snop  }
0x5: {  	_ = 	snop  }
0x6: {  	_ = 	snop  }
0x7: {  	_ = 	snop  }
__scs_overlays_trampoline_lowered:
0x8: {  	[smem:$0x3FAC] =	sst s0  }
0x9: {  	[smem:$0x3FAD] =	sst s1  }
0xa: {  	[smem:$0x3FAE] =	sst s2  }
0xb: {  	[smem:$0x3FAF] =	sst s3  }
0xc: {  	[smem:$0x3FB0] =	sst s4  }
0xd: {  	[smem:$0x3FB1] =	sst s5  }
0xe: {  	[smem:$0x3FB2] =	sst s6  }
0xf: {  	[smem:$0x3FB3] =	sst s7  }
0x10: {  	[smem:$0x3FB4] =	sst s8  }
0x11: {  	[smem:$0x3FB5] =	sst s9;
	s0 =	simm.s32 @!p0 $0x0  }
0x12: {  	s1 =	sld [smem:$0x3F9B];
	s0 =	simm.s32 @p0 $0x1  }
0x13: {  	[smem:$0x3FB6] =	sst s0;
	s0 =	simm.s32 @!p1 $0x0  }
0x14: {  	s2 =	sld [smem:$0x3F9A];
	s0 =	simm.s32 @p1 $0x1  }
0x15: {  	[smem:$0x3FB7] =	sst s0;
	s0 =	simm.s32 @!p2 $0x0  }
0x16: {  	s3 =	sld [smem:$0x3FDB];
	s0 =	simm.s32 @p2 $0x1  }
0x17: {  	s4 =	simm.s32 $0x1BF5;
	[smem:$0x3FB9] =	sst s0  }
0x18: {  	s0 =	sld [smem:$0x3F9C];
	_ =	swait.ge [sflag:s4], $0x0  }
0x19: {  	s7 =	sld [smem:$0x3F9D]  }
0x1a: {  	s8 =	sadd.s32 $0xFFFFE003, lr  }
0x1b: {  	s9 =	sadd.s32 $0xFFFFFEF7, lr;
	s5 =	simm.s32 $0xFFFFFFFF;
	p2 =	slt.u32 s8, $0xFFFFF086  }
0x1c: {  	p1 =	slt.u32 s9, $0xF7A;
	s5 =	simm.s32 @!p2 $0x0  }
0x1d: {  	s5 =	simm.s32 @p1 $0x1;
	p0 =	seq.s32 s7, s2  }
0x1e: {  	s7 =	smul.u32 @!p0 $0xF7A, s2;
	p2 =	seq.s32 @!p0 s5, $0x0  }
0x1f: {  	s9 =	smul.u32 $0xF7A, s1;
	s8 =	simm.s32 @!p0 $0x1BF5;
	p2 =	por !p2, p0  }
0x20: {  	[sflag:s8] =	ssyncset.s32 @!p0 $0xFFFFF086;
	s6 =	sadd.s32 @!p0 s3, s7;
	s7 =	simm.s32 @!p0 $0x108  }
0x21: {  	s3 =	sadd.s32 s3, s9;
	s6 =	sadd.s32 @!p0 $0x88, s6;
	s7 =	simm.s32 @p2 $0x1082  }
0x22: {  	[simem:s7], [sflag:s8] =	dma.local @!p0 [hbm:s6], $0xF7A  }
0x23: {  	s9 =	sor.u32 $0xD0000000, s2;
	s6 =	simm.s32 $0x108;
	_ =	swait.ge @!p0 [sflag:s8], $0x0  }
0x24: {  	s3 =	sadd.s32 $0x88, s3;
	s6 =	simm.s32 @!p1 $0x1082;
	[sflag:s4] =	ssyncset.s32 $0xFFFFF086  }
0x25: {  	[simem:s6], [sflag:s4] =	dma.local [hbm:s3], $0xF7A  }
0x26: {  	[smem:$0x3F9D] =	sst s1;
	(tag) =	ssettag s2;
	_ =	strace s9  }
0x27: {  	s1 =	sld [smem:$0x3FAD]  }
0x28: {  	s2 =	sld [smem:$0x3FAE]  }
0x29: {  	s4 =	sld [smem:$0x3FB0]  }
0x2a: {  	p0 =	seq.s32 s5, $0x0;
	s5 =	sld [smem:$0x3FB1]  }
0x2b: {  	s6 =	sld [smem:$0x3FB2]  }
0x2c: {  	s7 =	sld [smem:$0x3FB3]  }
0x2d: {  	s3 =	simm.s32 $0x108;
	s8 =	sld [smem:$0x3FB4]  }
0x2e: {  	s3 =	simm.s32 @!p0 $0x1082;
	s9 =	sld [smem:$0x3FB5]  }
0x2f: {  	lr =	sadd.s32 s0, s3;
	s0 =	sld [smem:$0x3FAC]  }
0x30: {  	s3 =	sld [smem:$0x3FAF]  }
0x31: {  	[smem:$0x3FB8] =	sst s10  }
0x32: {  	s10 =	sld [smem:$0x3FB6];
	_ =	sdelay $0x3  }
0x33: {  	p0 =	seq.s32 s10, $0x1;
	s10 =	sld [smem:$0x3FB8];
	_ =	sdelay $0x3  }
0x34: {  	[smem:$0x3FB8] =	sst s10  }
0x35: {  	s10 =	sld [smem:$0x3FB7];
	_ =	sdelay $0x3  }
0x36: {  	p1 =	seq.s32 s10, $0x1;
	s10 =	sld [smem:$0x3FB8];
	_ =	sdelay $0x3  }
0x37: {  	[smem:$0x3FB8] =	sst s10  }
0x38: {  	s10 =	sld [smem:$0x3FB9]  }
0x39: {  	_ = 	snop;
	(pc) =	sbr.ind lr, $3  }
0x3a: {  	_ = 	snop  }
0x3b: {  	_ = 	snop  }
0x3c: {  	p2 =	seq.s32 s10, $0x1;
	s10 =	sld [smem:$0x3FB8]  }
0x3d: {  	_ =	shalt  }
0x3e: {  	_ =	shalt  }
0x3f: {  	_ =	shalt  }
0x40: {  	_ =	shalt  }
0x41: {  	_ =	shalt  }
0x42: {  	_ =	shalt  }
0x43: {  	_ =	shalt  }
0x44: {  	_ =	shalt  }
0x45: {  	_ =	shalt  }
0x46: {  	_ =	shalt  }
0x47: {  	_ =	shalt  }
0x48: {  	_ =	shalt  }
0x49: {  	_ =	shalt  }
0x4a: {  	_ =	shalt  }
0x4b: {  	_ =	shalt  }
0x4c: {  	_ =	shalt  }
0x4d: {  	_ =	shalt  }
0x4e: {  	_ =	shalt  }
0x4f: {  	_ =	shalt  }
0x50: {  	_ =	shalt  }
0x51: {  	_ =	shalt  }
0x52: {  	_ =	shalt  }
0x53: {  	_ =	shalt  }
0x54: {  	_ =	shalt  }
0x55: {  	_ =	shalt  }
0x56: {  	_ =	shalt  }
0x57: {  	_ =	shalt  }
0x58: {  	_ =	shalt  }
0x59: {  	_ =	shalt  }
0x5a: {  	_ =	shalt  }
0x5b: {  	_ =	shalt  }
0x5c: {  	_ =	shalt  }
0x5d: {  	_ =	shalt  }
0x5e: {  	_ =	shalt  }
0x5f: {  	_ =	shalt  }
0x60: {  	_ =	shalt  }
0x61: {  	_ =	shalt  }
0x62: {  	_ =	shalt  }
0x63: {  	_ =	shalt  }
0x64: {  	_ =	shalt  }
0x65: {  	_ =	shalt  }
0x66: {  	_ =	shalt  }
0x67: {  	_ =	shalt  }
0x68: {  	_ =	shalt  }
0x69: {  	_ =	shalt  }
0x6a: {  	_ =	shalt  }
0x6b: {  	_ =	shalt  }
0x6c: {  	_ =	shalt  }
0x6d: {  	_ =	shalt  }
0x6e: {  	_ =	shalt  }
0x6f: {  	_ =	shalt  }
0x70: {  	_ =	shalt  }
0x71: {  	_ =	shalt  }
0x72: {  	_ =	shalt  }
0x73: {  	_ =	shalt  }
0x74: {  	_ =	shalt  }
0x75: {  	_ =	shalt  }
0x76: {  	_ =	shalt  }
0x77: {  	_ =	shalt  }
0x78: {  	_ =	shalt  }
0x79: {  	_ =	shalt  }
0x7a: {  	_ =	shalt  }
0x7b: {  	_ =	shalt  }
0x7c: {  	_ =	shalt  }
0x7d: {  	_ =	shalt  }
0x7e: {  	_ =	shalt  }
0x7f: {  	_ =	shalt  }
0x80: {  	_ =	shalt  }
0x81: {  	_ =	shalt  }
0x82: {  	_ =	shalt  }
0x83: {  	_ =	shalt  }
0x84: {  	_ =	shalt  }
0x85: {  	_ =	shalt  }
0x86: {  	_ =	shalt  }
0x87: {  	_ =	shalt  }
.Lfunc_end0:
.L_simem_size_0:
called_computation_lowered:
.L_overlay_start_0:
0x88: {  	s2 =	sld [smem:$0x3FD9]  }
0x89: {  	s3 =	sld [smem:$0x3FFE];
	_ =	sdelay $0x1  }
0x8a: {  	s1 =	srdreg.scid  }
0x8b: {  	s0 =	sand.u32 $0x1, s1  }
0x8c: {  	s15 =	sshll.u32 s0, $0xA;
	s2 =	sadd.s32 s3, s2  }
0x8d: {  	s2 =	sadd.s32 s2, s15  }
0x8e: {  	[smem:$0x3FC4] =	sst s2  }
0x8f: {  	_ = 	snop  }
0x90: {  	s2 =	sld [smem:$0x3FD0];
	_ =	sdelay $0x2  }
0x91: {  	s4 =	simm.s32 $0xA;
	s5 =	simm.s32 $0x10;
	s16 =	sld [smem:$0x3FC7]  }
0x92: {  	[smem:s5], [sflag:s4] =	dma.local [hbm:s2], $0x1  }
0x93: {  	_ =	swait.eq [sflag:s4], $0x1  }
0x94: {  	[sflag:s4] =	ssyncset.done $0x0  }
0x95: {  	s17 =	sld [smem:$0x11];
	[sflag:s4] =	ssyncadd.s32 $0xFFFFFFFF  }
0x96: {  	s18 =	sld [smem:$0x12];
	(tm) =	ssettm $0x1  }
0x97: {  	s19 =	sld [smem:$0x3FFB];
	_ =	sdelay $0x3  }
0x98: {  	_ =	strace s19  }
0x99: {  	s5 =	sld [smem:$0x3FFC];
	_ =	sdelay $0x3  }
0x9a: {  	_ =	strace s5  }
0x9b: {  	s5 =	sld [smem:$0x3FFD];
	_ =	sdelay $0x3  }
0x9c: {  	_ =	strace s5  }
0x9d: {  	_ =	strace $0x8FFFFFFF  }
0x9e: {  	s20 =	sld [smem:$0x3FDB];
	_ =	sdelay $0x1  }
0x9f: {  	s6 =	simm.s32 $_scs_section_size  }
0xa0: {  	s7 =	simm.s32 $_size__tile_overlayer_lowered;
	s8 =	simm.s32 $_tile_overlayer_lowered  }
0xa1: {  	s23 =	simm.s32 $0x1BFF;
	s22 =	sshll.u32 s8, $0x1;
	s5 =	sadd.s32 s6, s20  }
0xa2: {  	s9 =	simm.s32 $0x0;
	s21 =	sshll.u32 s7, $0x1;
	s7 =	sadd.s32 s22, s5  }
0xa3: {  	[timem:s9], [sflag:s23] =	dma.local [hbm:s7], s21  }
0xa4: {  	_ =	swait.ge [sflag:s23], s21  }
0xa5: {  	s6 =	ssub.s32 $0x0, s21;
	[sflag:s23] =	ssyncset.done $0x0  }
0xa6: {  	[sflag:s23] =	ssyncadd.s32 s6;
	_ =	sdelay $0x1  }
0xa7: {  	s24 =	simm.s32 $0x1B8B  }
0xa8: {  	_ =	swait.ge [sflag:s24], $0x1  }
0xa9: {  	[sflag:s24] =	ssyncset.done $0x0  }
0xaa: {  	s25 =	simm.s32 $0x1B8E;
	[sflag:s24] =	ssyncadd.s32 $0xFFFFFFFF  }
0xab: {  	s26 =	simm.s32 $execute0_lowered;
	[smem:$0x3FD2] =	sst s25  }
0xac: {  	s6 =	sshll.u32 s26, $0x1;
	_ =	strace $0x80000046;
	[dreg:$0x1] =	wrdreg $0xFFFFFFFF  }
0xad: {  	s28 =	simm.s32 $_size_execute0_lowered;
	s5 =	sadd.s32 s5, s6;
	[dreg:$0x0] =	wrdreg $0x0  }
0xae: {  	s6 =	sshll.u32 s28, $0x1;
	[dreg:$0x2] =	wrdreg s5  }
0xaf: {  	[dreg:$0x3] =	wrdreg s6  }
0xb0: {  	[dreg:$0x4] =	wrdreg $0xC0  }
0xb1: {  	_ =	task [dreg:s9], $0x5FFFF  }
0xb2: {  	[dreg:$0x1] =	wrdreg $0xFFFFFFFF  }
0xb3: {  	[dreg:$0x0] =	wrdreg $0x60  }
0xb4: {  	[dreg:$0x2] =	wrdreg s16  }
0xb5: {  	[dreg:$0x3] =	wrdreg s18  }
0xb6: {  	[dreg:$0x4] =	wrdreg s17  }
0xb7: {  	[dreg:$0x5] =	wrdreg $0x0  }
0xb8: {  	[dreg:$0x6] =	wrdreg $0x9  }
0xb9: {  	_ =	task.clear_ibuf [dreg:s9], $0x7FFFF;
	_ =	strace $0x90000046  }
0xba: {  	s29 =	simm.s32 $0x9;
	_ =	strace $0x80000048  }
0xbb: {  	_ =	swait.ge [sflag:s29], $0x1  }
0xbc: {  	[sflag:s29] =	ssyncadd.s32 $0xFFFFFFFF  }
0xbd: {  	_ =	strace $0x90000048  }
0xbe: {  	_ =	sfence  }
0xbf: {  	s30 =	sld [smem:$0x0];
	_ =	sdelay $0x2  }
0xc0: {  	s31 =	sshll.u32 s1, $0xD;
	s1 =	sshrl.u32 s1, $0x2  }
0xc1: {  	s3 =	sand.u32 $0x4000, s31;
	s1 =	sadd.s32 s1, s30  }
0xc2: {  	s0 =	sor.u32 s3, s0;
	s1 =	sshll.u32 s1, $0x11  }
0xc3: {  	s0 =	sor.u32 s1, s0  }
0xc4: {  	s0 =	sadd.s32 $0x8F2B, s0  }
0xc5: {  	[sflag:s0] =	ssyncadd.remote.s32 $0x1  }
0xc6: {  	_ =	sfence.sel $0xFFFF  }
0xc7: {  	[dreg:$0x0] =	wrdreg $0xFFFFFFFF;
	(pc) =	sbr.abs _section_cstart, $3  }
0xc8: {  	[dreg:$0x1] =	wrdreg $0xFFFFFFFF  }
0xc9: {  	_ =	task.clear_ibuf [dreg:s9], $0x2FFFF;
	_ =	strace $0x9FFFFFFF  }
0xca: {  	(tm) =	ssettm $0x7FFFFFFF  }
0xcb: {  	_ =	shalt  }
tec
execute0_lowered:
.L_overlay_start_1:
0x0: {  	(tag) =	ssettag $0x1  }
0x1: {  	s4 =	rddreg [dreg:$0x0]  }
0x2: {  	s6 =	rddreg [dreg:$0x1]  }
0x3: {  	s11 =	rddreg [dreg:$0x2]  }
0x4: {  	s1 =	rddreg [dreg:$0x3]  }
0x5: {  	s2 =	srdreg.scid;
	s0 =	rddreg [dreg:$0x4];
	s3 =	simm.s32 $0x0  }
0x6: {  	s15 =	simm.s32 $0x80;
	s16 =	simm.s32 $0xA000;
	s17 =	simm.s32 $0x8080  }
0x7: {  	s18 =	simm.s32 $0xE000;
	s19 =	simm.s32 $0x1;
	s20 =	simm.s32 $0x3  }
0x8: {  	s21 =	simm.s32 $0x2;
	s22 =	simm.s32 $0x4;
	s23 =	simm.s32 $0x0  }
0x9: {  	s7 =	sand.u32 $0x1, s2;
	s2 =	stileid.u32;
	[smem:$0x7FF] =	sst s3  }
0xa: {  	s5 =	ssub.s32 $0x2, s7;
	s9 =	sshll.u32 s2, $0x1;
	_ =	strace $0x80000047  }
0xb: {  	s28 =	sshll.u32 s2, $0xF;
	s10 =	sshll.u32 s2, $0xC;
	s12 =	sshll.u32 s2, $0x6  }
0xc: {  	s30 =	sshll.u32 s2, $0x15;
	s8 =	sshrl.u32 s5, $0x1;
	s9 =	sor.u32 s7, s9  }
0xd: {  	s13 =	sadd.s32 s28, s1;
	s4 =	sadd.s32 s4, s10;
	s7 =	sshll.u32 s7, $0x14  }
0xe: {  	s8 =	ssub.s32 s5, s8;
	s5 =	sor.u32 $0x1C05, s12;
	s29 =	sshll.u32 s9, $0xA  }
0xf: {  	s9 =	sshll.u32 s9, $0x11;
	s31 =	sor.u32 s7, s30;
	s6 =	sadd.s32 s6, s29  }
0x10: {  	s7 =	smax.u32 s8, $0x1;
	s9 =	sadd.s32 s9, s11;
	s12 =	sor.u32 $0x4000, s31  }
0x11: {  	s14 =	sshrl.u32 s31, $0x3;
	s8 =	sadd.s32 $0x1F000, s9;
	s12 =	sshrl.u32 s12, $0x3  }
0x12: {  	s9 =	sadd.s32 $0x1F800, s9;
	s10 =	sadd.s32 s12, s11;
	s11 =	sadd.s32 s14, s11  }
0x13: {  	s12 =	sshrl.u32 s13, $0x3;
	s13 =	simm.s32 $0x5;
	s14 =	simm.s32 $0x8000  }
.LBB2_1:
0x14: {  	[spmem:s12], [sflag:s5] =	dma.local [hbm:s4], $0x1000  }
0x15: {  	_ =	swait.ge [sflag:s13], $0x1000  }
0x16: {  	[sflag:s13] =	ssyncset.done $0x0  }
0x17: {  	[sflag:s13] =	ssyncadd.s32 $0xFFFFF000  }
0x18: {  	[bflag:$0x0] =	sbarrier.arrive $0xFFFF  }
0x19: {  	[tilespmem:s14], [sflag:$0x5] =	stream.linear.gather [hbm4b:s6+s3], $0x2000, $0x38;
	[tilespmem:$0x12000] =	vst v63  }
0x1a: {  	_ =	swait.ge [sflag:s13], $0x2000  }
0x1b: {  	[sflag:s13] =	ssyncset.done $0x0  }
0x1c: {  	[sflag:s13] =	ssyncadd.s32 $0xFFFFE000  }
0x1d: {  	[tilespmem:s16], [sflag:$0x1] =	stream.indirect.gather [spmem:s1], $0x80, s14, s15, $0xb8;
	[tilespmem:$0x12000] =	vst v63  }
0x1e: {  	_ = 	snop  }
0x1f: {  	[tilespmem:s18], [sflag:$0x2] =	stream.indirect.gather [spmem:s1], $0x80, s17, s15, $0xb8;
	[tilespmem:$0x12000] =	vst v63  }
0x20: {  	_ =	swait.ge [sflag:s19], $0x4000  }
0x21: {  	[sflag:s19] =	ssyncset.done $0x0  }
0x22: {  	s24 =	sadd.s32 $0x0, s11;
	[sflag:s19] =	ssyncadd.s32 $0xFFFFC000  }
0x23: {  	[hbm4b:s24+s3] =	stream.linear.scatter [tilespmem:s16], [sflag:$0x3], $0x4000, $0x38;
	[tilespmem:$0x12000] =	vst v63  }
0x24: {  	_ =	swait.ge [sflag:s20], $0x4000  }
0x25: {  	[sflag:s20] =	ssyncset.done $0x0  }
0x26: {  	s30 =	simm.s32 $0x8100;
	[sflag:s20] =	ssyncadd.s32 $0xFFFFC000  }
0x27: {  	[tilespmem:s16], [sflag:$0x1] =	stream.indirect.gather [spmem:s1], $0x80, s30, s15, $0xb8;
	[tilespmem:$0x12000] =	vst v63  }
0x28: {  	_ =	swait.ge [sflag:s21], $0x4000  }
0x29: {  	[sflag:s21] =	ssyncset.done $0x0  }
0x2a: {  	s31 =	sadd.s32 $0x0, s10;
	[sflag:s21] =	ssyncadd.s32 $0xFFFFC000  }
0x2b: {  	[hbm4b:s31+s3] =	stream.linear.scatter [tilespmem:s18], [sflag:$0x4], $0x4000, $0x38;
	[tilespmem:$0x12000] =	vst v63  }
0x2c: {  	_ =	swait.ge [sflag:s22], $0x4000  }
0x2d: {  	s25 =	simm.s32 $0x1000;
	[sflag:s22] =	ssyncset.done $0x0  }
0x2e: {  	s26 =	simm.s32 $0x8280;
	s24 =	simm.s32 $0x8180;
	[sflag:s22] =	ssyncadd.s32 $0xFFFFC000  }
.LBB2_2:
0x2f: {  	[tilespmem:s18], [sflag:$0x2] =	stream.indirect.gather [spmem:s1], $0x80, s24, s15, $0xb8;
	[tilespmem:$0x12000] =	vst v63  }
0x30: {  	s28 =	smov.u32 s25;
	s24 =	smov.u32 s26  }
0x31: {  	p0 =	sne.s32 s25, $0x1E000;
	s25 =	sadd.s32 $0x1000, s25;
	_ =	swait.ge [sflag:s19], $0x4000  }
0x32: {  	[sflag:s19] =	ssyncset.done $0x0  }
0x33: {  	s29 =	sadd.s32 s28, s11;
	[sflag:s19] =	ssyncadd.s32 $0xFFFFC000  }
0x34: {  	[hbm4b:s29+s3] =	stream.linear.scatter [tilespmem:s16], [sflag:$0x3], $0x4000, $0x38;
	[tilespmem:$0x12000] =	vst v63  }
0x35: {  	_ =	swait.ge [sflag:s20], $0x4000  }
0x36: {  	[sflag:s20] =	ssyncset.done $0x0  }
0x37: {  	s29 =	sadd.s32 $0xFFFFFF80, s26;
	[sflag:s20] =	ssyncadd.s32 $0xFFFFC000  }
0x38: {  	[tilespmem:s16], [sflag:$0x1] =	stream.indirect.gather [spmem:s1], $0x80, s29, s15, $0xb8;
	[tilespmem:$0x12000] =	vst v63  }
0x39: {  	_ =	swait.ge [sflag:s21], $0x4000  }
0x3a: {  	[sflag:s21] =	ssyncset.done $0x0  }
.Ltmp0:
0x3b: {  	s28 =	sadd.s32 s28, s10;
	[sflag:s21] =	ssyncadd.s32 $0xFFFFC000;
	(pc) =	sbr.rel @p0 .LBB2_2-.Ltmp0, $4  }
0x3c: {  	[hbm4b:s28+s3] =	stream.linear.scatter [tilespmem:s18], [sflag:$0x4], $0x4000, $0x38;
	[tilespmem:$0x12000] =	vst v63  }
0x3d: {  	_ =	swait.ge [sflag:s22], $0x4000  }
0x3e: {  	[sflag:s22] =	ssyncset.done $0x0  }
0x3f: {  	s26 =	sadd.s32 $0x100, s26;
	[sflag:s22] =	ssyncadd.s32 $0xFFFFC000  }
0x40: {  	[tilespmem:s18], [sflag:$0x2] =	stream.indirect.gather [spmem:s1], $0x80, s24, s15, $0xb8;
	[tilespmem:$0x12000] =	vst v63  }
0x41: {  	_ =	swait.ge [sflag:s19], $0x4000  }
0x42: {  	[sflag:s19] =	ssyncset.done $0x0  }
0x43: {  	[sflag:s19] =	ssyncadd.s32 $0xFFFFC000  }
0x44: {  	[hbm4b:s8+s3] =	stream.linear.scatter [tilespmem:s16], [sflag:$0x3], $0x4000, $0x38;
	[tilespmem:$0x12000] =	vst v63  }
0x45: {  	_ =	swait.ge [sflag:s20], $0x4000  }
0x46: {  	[sflag:s20] =	ssyncset.done $0x0  }
0x47: {  	[sflag:s20] =	ssyncadd.s32 $0xFFFFC000  }
0x48: {  	s23 =	sadd.s32 $0x1, s23;
	_ =	swait.ge [sflag:s21], $0x4000  }
0x49: {  	p0 =	sne.s32 s23, s7;
	[sflag:s21] =	ssyncset.done $0x0  }
.Ltmp1:
0x4a: {  	[sflag:s21] =	ssyncadd.s32 $0xFFFFC000;
	(pc) =	sbr.rel @p0 .LBB2_1-.Ltmp1, $4  }
0x4b: {  	[hbm4b:s9+s3] =	stream.linear.scatter [tilespmem:s18], [sflag:$0x4], $0x4000, $0x38;
	[tilespmem:$0x12000] =	vst v63  }
0x4c: {  	_ =	swait.ge [sflag:s22], $0x4000  }
0x4d: {  	[sflag:s22] =	ssyncset.done $0x0  }
0x4e: {  	[sflag:s22] =	ssyncadd.s32 $0xFFFFC000  }
0x4f: {  	_ =	sfence.sel $0x180000  }
0x50: {  	[bflag:$0x0] =	sbarrier.arrive $0xFFFF  }
0x51: {  	p0 =	sne.s32 s2, $0x0;
	_ =	strace $0x90000047  }
0x52: {  	s0 =	sadd.s32 @!p0 $0x100000, s0;
	[bflag:$0x2] =	sbarrier.arrive $0xFFFF  }
0x53: {  	[sflag:s0] =	ssyncadd.tile.s32 @!p0 $0x1;
	_ =	shalt  }
.Lfunc_end2:
_tile_overlayer_lowered:
.L_overlay_start_2:
0x54: {  	(tag) =	ssettag $0x2  }
0x55: {  	s0 =	rddreg [dreg:$0x0];
	s2 =	stileid.u32  }
0x56: {  	s1 =	rddreg [dreg:$0x1];
	p0 =	sne.s32 s2, $0x0  }
0x57: {  	s3 =	rddreg [dreg:$0x2];
	[bflag:$0x3] =	sbarrier.arrive $0xFFFF;
	s2 =	simm.s32 @!p0 $0x1C05  }
0x58: {  	[timem:s3], [sflag:s2] =	dma.local @!p0 [hbm:s0], s1  }
0x59: {  	s0 =	simm.s32 @!p0 $0x5  }
0x5a: {  	_ =	swait.ge @!p0 [sflag:s0], s1  }
0x5b: {  	s1 =	ssub.s32 @!p0 $0x0, s1;
	[sflag:s0] =	ssyncset.done @!p0 $0x0  }
0x5c: {  	[sflag:s0] =	ssyncadd.s32 @!p0 s1  }
0x5d: {  	[bflag:$0x3] =	sbarrier.arrive $0xFFFF  }
0x5e: {  	_ =	shalt  }

</sc_bundles>
